<compile_context>
chip_gen: v7x
topology: tpu7x:2x2x1
jax: 0.10.2.dev20260603
libtpu: 0.0.44.dev20260713+nightly
codegen_flags: <defaults>
</compile_context>

<pallas_src>
import functools

import jax
import jax.numpy as jnp
from jax import lax
from jax.experimental import pallas as pl
from jax.experimental.pallas import tpu as pltpu
from jax.experimental.pallas import tpu_sc as plsc

NC = 2
NS = 16
NW = NC * NS
LANES = 16

VOCAB = 1000000
BATCH = 4096
SEQ = 200
EMBED_DIM = 64

BPW = BATCH // NW
NV = EMBED_DIM // LANES
INV_SEQ = 1.0 / SEQ

BR = 4096
NBLK_IN = -(-VOCAB // BR)
NBLK_OUT = -(-NBLK_IN // 2)
RROWS = NBLK_OUT * BR

CHUNK = 128
NCHUNK_W = BPW * SEQ // CHUNK


def _repack_tc(table_t):

    def rep(lo_ref, hi_ref, o_ref):
        o_ref[...] = jnp.concatenate(
            [
                jnp.swapaxes(lo_ref[...], 0, 1),
                jnp.swapaxes(hi_ref[...], 0, 1),
            ],
            axis=1,
        )

    return pl.pallas_call(
        rep,
        grid=(NBLK_OUT,),
        in_specs=[
            pl.BlockSpec((EMBED_DIM, BR), lambda i: (0, 2 * i)),
            pl.BlockSpec(
                (EMBED_DIM, BR),
                lambda i: (0, jnp.minimum(2 * i + 1, NBLK_IN - 1)),
            ),
        ],
        out_specs=pl.BlockSpec((BR, 128), lambda i: (i, 0)),
        out_shape=jax.ShapeDtypeStruct((RROWS, 128), jnp.float32),
    )(table_t, table_t)


def _pool_sc(r64, gidx):
    mesh = plsc.VectorSubcoreMesh(core_axis_name="c", subcore_axis_name="s")

    @functools.partial(
        pl.kernel,
        mesh=mesh,
        compiler_params=pltpu.CompilerParams(use_tc_tiling_on_sc=False),
        out_type=jax.ShapeDtypeStruct((BATCH, EMBED_DIM), jnp.float32),
        scratch_types=[
            pltpu.VMEM((NCHUNK_W, CHUNK), jnp.int32),
            pltpu.VMEM((4, CHUNK, EMBED_DIM), jnp.float32),
            pltpu.VMEM((BPW, EMBED_DIM), jnp.float32),
            pltpu.SemaphoreType.DMA,
            pltpu.SemaphoreType.DMA,
            pltpu.SemaphoreType.DMA,
            pltpu.SemaphoreType.DMA,
        ],
    )
    def kb(r_hbm, idx_hbm, out_hbm, idx_v, rows_v, pooled_v,
           sem0, sem1, sem2, sem3):
        wid = lax.axis_index("s") * NC + lax.axis_index("c")
        cbase = wid * NCHUNK_W
        pltpu.sync_copy(idx_hbm.at[pl.ds(cbase, NCHUNK_W)], idx_v)

        def start(c, slot, sem):
            pltpu.async_copy(r_hbm.at[idx_v.at[c]], rows_v.at[slot], sem)

        def wait(c, slot, sem):
            pltpu.make_async_copy(
                r_hbm.at[idx_v.at[c]], rows_v.at[slot], sem
            ).wait()

        def reduce_chunk(c, slot, accs):
            s_raw = (SEQ - (CHUNK * c) % SEQ) % SEQ
            s = jnp.minimum(s_raw, CHUNK)
            flush = jnp.logical_and(s_raw < CHUNK,
                                    jnp.logical_or(c > 0, s_raw > 0))

            def red(rr, a):
                return tuple(
                    a[j] + rows_v[slot, rr, pl.ds(16 * j, 16)]
                    for j in range(NV)
                )

            accs = lax.fori_loop(jnp.int32(0), s, red, accs)

            @pl.when(flush)
            def _():
                rf = (CHUNK * c + s - 1) // SEQ
                for j in range(NV):
                    pooled_v[rf, pl.ds(16 * j, 16)] = accs[j] * INV_SEQ

            accs = tuple(
                jnp.where(flush, jnp.zeros((LANES,), jnp.float32), a)
                for a in accs
            )
            return lax.fori_loop(s, jnp.int32(CHUNK), red, accs)

        sems = (sem0, sem1, sem2, sem3)
        for ph in range(3):
            start(ph, ph, sems[ph])

        def body(cp, accs):
            c0 = 4 * cp
            for ph in range(4):
                c = c0 + ph
                nslot = (ph + 3) % 4

                @pl.when(c + 3 < NCHUNK_W)
                def _():
                    start(c + 3, nslot, sems[nslot])

                wait(c, ph, sems[ph])
                accs = reduce_chunk(c, ph, accs)
            return accs

        accs = lax.fori_loop(
            0, NCHUNK_W // 4, body,
            tuple(jnp.zeros((LANES,), jnp.float32) for _ in range(NV)),
        )
        for j in range(NV):
            pooled_v[BPW - 1, pl.ds(16 * j, 16)] = accs[j] * INV_SEQ
        pltpu.sync_copy(pooled_v, out_hbm.at[pl.ds(wid * BPW, BPW)])

    return kb(r64, gidx)


def _classifier_tc(pooled, W, b2):
    B, D = pooled.shape
    C = W.shape[0]
    BM = 512

    def mm(x_ref, w_ref, b_ref, o_ref):
        o_ref[...] = (
            lax.dot_general(
                x_ref[...],
                w_ref[...],
                (((1,), (1,)), ((), ())),
                preferred_element_type=jnp.float32,
            )
            + b_ref[...]
        )

    return pl.pallas_call(
        mm,
        grid=(B // BM,),
        in_specs=[
            pl.BlockSpec((BM, D), lambda i: (i, 0)),
            pl.BlockSpec((C, D), lambda i: (0, 0)),
            pl.BlockSpec((1, C), lambda i: (0, 0)),
        ],
        out_specs=pl.BlockSpec((BM, C), lambda i: (i, 0)),
        out_shape=jax.ShapeDtypeStruct((B, C), jnp.float32),
    )(pooled, W, b2)


def kernel(x_data, table, W, b):
    x = x_data.astype(jnp.int32)
    bb = x >> 12
    rr = x & (BR - 1)
    gidx = ((bb >> 1) << 13) + 2 * rr + (bb & 1)
    gidx = gidx.reshape(BATCH * SEQ // CHUNK, CHUNK)
    table_t = jnp.swapaxes(table, 0, 1)
    r = _repack_tc(table_t)
    r64 = r.reshape(2 * RROWS, EMBED_DIM)
    pooled = _pool_sc(r64, gidx)
    return _classifier_tc(pooled, W, b.reshape(1, -1))

# --- scband reference (transcript-rebuilt; emitter-appended) ---
"""Pipeline reference for scband-fast-text-classifier-27436251086887 (READ-ONLY COPY).

The authoritative reference and input builder live on the scoring server;
editing this copy changes nothing except your own understanding.
"""

import jax, jax.numpy as jnp
import numpy as np

VOCAB = 1000000
EMBED_DIM = 64
N_CLASSES = 1000
BATCH = 4096
SEQ = 200
PADDING_IDX = 0

def setup_inputs(seed: int = 0) -> dict:
    key = jax.random.key(seed)
    k1, k2, k3 = jax.random.split(key, 3)
    x_data = jax.random.randint(k1, (BATCH, SEQ), 0, VOCAB, dtype=jnp.int64 if jax.config.jax_enable_x64 else jnp.int32)
    table = jax.random.normal(k2, (VOCAB, EMBED_DIM), dtype=jnp.float32)
    # nn.Embedding with padding_idx zeroes the padding row at init
    table = table.at[PADDING_IDX].set(0.0)
    W = jax.random.normal(k3, (N_CLASSES, EMBED_DIM), dtype=jnp.float32) * 0.02
    b = jnp.zeros((N_CLASSES,), dtype=jnp.float32)
    return {"x_data": x_data, "table": table, "W": W, "b": b}

def reference(x_data, table, W, b):
    # embedding lookup: [B, L] -> [B, L, D]
    embed_data = jnp.take(table, x_data, axis=0)
    # F.avg_pool2d(embed, (L, 1)).squeeze(1) on a 3D tensor == mean over the L axis
    inter_vec = jnp.mean(embed_data, axis=1)
    # Linear: [B, D] @ [D, C] + [C]
    pred = inter_vec @ W.T + b
    return pred

if __name__ == "__main__":
    import jax
    _d = setup_inputs()
    print(jax.jit(kernel)(*tuple(_d.values())))

</pallas_src>

<mosaic_0001>
#map = affine_map<(d0, d1) -> (0, 0)>
module attributes {stable_mosaic.version = 14 : i64} {
  func.func @kb(%arg0: i32, %arg1: i32, %arg2: memref<1007616x64xf32, #tpu.memory_space<hbm>>, %arg3: memref<6400x128xi32, #tpu.memory_space<hbm>>, %arg4: memref<4096x64xf32, #tpu.memory_space<hbm>>, %arg5: memref<200x128xi32, #tpu.memory_space<vmem>>, %arg6: memref<4x128x64xf32, #tpu.memory_space<vmem>>, %arg7: memref<128x64xf32, #tpu.memory_space<vmem>>, %arg8: memref<!tpu.dma_semaphore, #tpu.memory_space<semaphore_mem>>, %arg9: memref<!tpu.dma_semaphore, #tpu.memory_space<semaphore_mem>>, %arg10: memref<!tpu.dma_semaphore, #tpu.memory_space<semaphore_mem>>, %arg11: memref<!tpu.dma_semaphore, #tpu.memory_space<semaphore_mem>>) attributes {dimension_semantics = [#tpu.dimension_semantics<core_parallel>, #tpu.dimension_semantics<subcore_parallel>], iteration_bounds = array<i64: 2, 16>, scalar_prefetch = 0 : i64, scratch_operands = 7 : i64, tpu.core_type = #tpu.core_type<sc_vector_subcore>, window_params = [{transform_indices = #map}, {transform_indices = #map}, {transform_indices = #map}]} {
    %mul3A = arith.constant 2 : i32
    %mul3A_0 = arith.muli %arg1, %mul3A : i32
    %add3A = arith.addi %mul3A_0, %arg0 : i32
    %mul3A_1 = arith.constant 200 : i32
    %mul3A_2 = arith.muli %add3A, %mul3A_1 : i32
    "tpu.region"() ({
      %run_scoped3A = tpu.sem_alloc : memref<!tpu.dma_semaphore, #tpu.memory_space<semaphore_mem>>
      %dma_start3A_87 = arith.constant 0 : i32
      %dma_start3A_88 = tpu.memref_slice %arg3[%mul3A_2, %dma_start3A_87] : memref<6400x128xi32, #tpu.memory_space<hbm>> -> memref<200x128xi32, #tpu.memory_space<hbm>>
      %dma_start3A_89 = arith.constant 0 : i32
      %dma_start3A_90 = tpu.memref_slice %arg3[%mul3A_2, %dma_start3A_89] : memref<6400x128xi32, #tpu.memory_space<hbm>> -> memref<200x128xi32, #tpu.memory_space<hbm>>
      tpu.enqueue_dma source(%dma_start3A_90 : memref<200x128xi32, #tpu.memory_space<hbm>>) target(%arg5 : memref<200x128xi32, #tpu.memory_space<vmem>>) target_semaphore(%run_scoped3A : memref<!tpu.dma_semaphore, #tpu.memory_space<semaphore_mem>>)
      %dma_wait3A = arith.constant 0 : i32
      %dma_wait3A_91 = tpu.memref_slice %arg3[%mul3A_2, %dma_wait3A] : memref<6400x128xi32, #tpu.memory_space<hbm>> -> memref<200x128xi32, #tpu.memory_space<hbm>>
      %dma_wait3A_92 = arith.constant 0 : i32
      %dma_wait3A_93 = tpu.memref_slice %arg3[%mul3A_2, %dma_wait3A_92] : memref<6400x128xi32, #tpu.memory_space<hbm>> -> memref<200x128xi32, #tpu.memory_space<hbm>>
      tpu.wait_dma2 semaphore(%run_scoped3A : memref<!tpu.dma_semaphore, #tpu.memory_space<semaphore_mem>>) src(%dma_wait3A_93 : memref<200x128xi32, #tpu.memory_space<hbm>>) dst(%arg5 : memref<200x128xi32, #tpu.memory_space<vmem>>)
      tpu.yield
    }) : () -> ()
    %dma_start3A = arith.constant 0 : i32
    %dma_start3A_3 = arith.constant 0 : i32
    %dma_start3A_4 = arith.constant 0 : i32
    %dma_start3A_5 = arith.constant 0 : i32
    %dma_start3A_6 = tpu.memref_slice %arg6[%dma_start3A_3, %dma_start3A_4, %dma_start3A_5] : memref<4x128x64xf32, #tpu.memory_space<vmem>> -> memref<1x128x64xf32, #tpu.memory_space<vmem>>
    %dma_start3A_7 = tpu.memref_squeeze %dma_start3A_6 : memref<1x128x64xf32, #tpu.memory_space<vmem>> -> memref<128x64xf32, #tpu.memory_space<vmem>>
    %dma_start3A_8 = arith.constant 0 : i32
    %dma_start3A_9 = tpu.memref_slice %arg5[%dma_start3A, %dma_start3A_8] : memref<200x128xi32, #tpu.memory_space<vmem>> -> memref<1x128xi32, #tpu.memory_space<vmem>>
    %dma_start3A_10 = tpu.memref_squeeze %dma_start3A_9 : memref<1x128xi32, #tpu.memory_space<vmem>> -> memref<128xi32, #tpu.memory_space<vmem>>
    %dma_start3A_11 = arith.constant 0 : i32
    %dma_start3A_12 = arith.constant 0 : i32
    %dma_start3A_13 = tpu.memref_slice %arg2[%dma_start3A_11, %dma_start3A_12] : memref<1007616x64xf32, #tpu.memory_space<hbm>> -> memref<1007616x64xf32, #tpu.memory_space<hbm>>
    tpu.enqueue_indirect_dma source(%dma_start3A_13 : memref<1007616x64xf32, #tpu.memory_space<hbm>>) target(%dma_start3A_7 : memref<128x64xf32, #tpu.memory_space<vmem>>) offsets(%dma_start3A_10 : memref<128xi32, #tpu.memory_space<vmem>>) semaphore(%arg8 : memref<!tpu.dma_semaphore, #tpu.memory_space<semaphore_mem>>)
    %dma_start3A_14 = arith.constant 1 : i32
    %dma_start3A_15 = arith.constant 1 : i32
    %dma_start3A_16 = arith.constant 0 : i32
    %dma_start3A_17 = arith.constant 0 : i32
    %dma_start3A_18 = tpu.memref_slice %arg6[%dma_start3A_15, %dma_start3A_16, %dma_start3A_17] : memref<4x128x64xf32, #tpu.memory_space<vmem>> -> memref<1x128x64xf32, #tpu.memory_space<vmem>>
    %dma_start3A_19 = tpu.memref_squeeze %dma_start3A_18 : memref<1x128x64xf32, #tpu.memory_space<vmem>> -> memref<128x64xf32, #tpu.memory_space<vmem>>
    %dma_start3A_20 = arith.constant 0 : i32
    %dma_start3A_21 = tpu.memref_slice %arg5[%dma_start3A_14, %dma_start3A_20] : memref<200x128xi32, #tpu.memory_space<vmem>> -> memref<1x128xi32, #tpu.memory_space<vmem>>
    %dma_start3A_22 = tpu.memref_squeeze %dma_start3A_21 : memref<1x128xi32, #tpu.memory_space<vmem>> -> memref<128xi32, #tpu.memory_space<vmem>>
    %dma_start3A_23 = arith.constant 0 : i32
    %dma_start3A_24 = arith.constant 0 : i32
    %dma_start3A_25 = tpu.memref_slice %arg2[%dma_start3A_23, %dma_start3A_24] : memref<1007616x64xf32, #tpu.memory_space<hbm>> -> memref<1007616x64xf32, #tpu.memory_space<hbm>>
    tpu.enqueue_indirect_dma source(%dma_start3A_25 : memref<1007616x64xf32, #tpu.memory_space<hbm>>) target(%dma_start3A_19 : memref<128x64xf32, #tpu.memory_space<vmem>>) offsets(%dma_start3A_22 : memref<128xi32, #tpu.memory_space<vmem>>) semaphore(%arg9 : memref<!tpu.dma_semaphore, #tpu.memory_space<semaphore_mem>>)
    %dma_start3A_26 = arith.constant 2 : i32
    %dma_start3A_27 = arith.constant 2 : i32
    %dma_start3A_28 = arith.constant 0 : i32
    %dma_start3A_29 = arith.constant 0 : i32
    %dma_start3A_30 = tpu.memref_slice %arg6[%dma_start3A_27, %dma_start3A_28, %dma_start3A_29] : memref<4x128x64xf32, #tpu.memory_space<vmem>> -> memref<1x128x64xf32, #tpu.memory_space<vmem>>
    %dma_start3A_31 = tpu.memref_squeeze %dma_start3A_30 : memref<1x128x64xf32, #tpu.memory_space<vmem>> -> memref<128x64xf32, #tpu.memory_space<vmem>>
    %dma_start3A_32 = arith.constant 0 : i32
    %dma_start3A_33 = tpu.memref_slice %arg5[%dma_start3A_26, %dma_start3A_32] : memref<200x128xi32, #tpu.memory_space<vmem>> -> memref<1x128xi32, #tpu.memory_space<vmem>>
    %dma_start3A_34 = tpu.memref_squeeze %dma_start3A_33 : memref<1x128xi32, #tpu.memory_space<vmem>> -> memref<128xi32, #tpu.memory_space<vmem>>
    %dma_start3A_35 = arith.constant 0 : i32
    %dma_start3A_36 = arith.constant 0 : i32
    %dma_start3A_37 = tpu.memref_slice %arg2[%dma_start3A_35, %dma_start3A_36] : memref<1007616x64xf32, #tpu.memory_space<hbm>> -> memref<1007616x64xf32, #tpu.memory_space<hbm>>
    tpu.enqueue_indirect_dma source(%dma_start3A_37 : memref<1007616x64xf32, #tpu.memory_space<hbm>>) target(%dma_start3A_31 : memref<128x64xf32, #tpu.memory_space<vmem>>) offsets(%dma_start3A_34 : memref<128xi32, #tpu.memory_space<vmem>>) semaphore(%arg10 : memref<!tpu.dma_semaphore, #tpu.memory_space<semaphore_mem>>)
    %broadcast_in_dim3A = arith.constant 0.000000e+00 : f32
    %broadcast_in_dim3A_38 = vector.broadcast %broadcast_in_dim3A : f32 to vector<16xf32>
    %broadcast_in_dim3A_39 = arith.constant 0.000000e+00 : f32
    %broadcast_in_dim3A_40 = vector.broadcast %broadcast_in_dim3A_39 : f32 to vector<16xf32>
    %broadcast_in_dim3A_41 = arith.constant 0.000000e+00 : f32
    %broadcast_in_dim3A_42 = vector.broadcast %broadcast_in_dim3A_41 : f32 to vector<16xf32>
    %broadcast_in_dim3A_43 = arith.constant 0.000000e+00 : f32
    %broadcast_in_dim3A_44 = vector.broadcast %broadcast_in_dim3A_43 : f32 to vector<16xf32>
    %scan3A = arith.constant 0 : i32
    %scan3A_45 = arith.constant 50 : i32
    %scan3A_46 = arith.addi %scan3A, %scan3A_45 : i32
    %scan3A_47 = arith.constant 1 : i32
    %scan3A_48:4 = scf.for %scan3A_87 = %scan3A to %scan3A_46 step %scan3A_47 iter_args(%scan3A_88 = %broadcast_in_dim3A_38, %scan3A_89 = %broadcast_in_dim3A_40, %scan3A_90 = %broadcast_in_dim3A_42, %scan3A_91 = %broadcast_in_dim3A_44) -> (vector<16xf32>, vector<16xf32>, vector<16xf32>, vector<16xf32>)  : i32 {
      %mul3A_92 = arith.constant 4 : i32
      %mul3A_93 = arith.muli %mul3A_92, %scan3A_87 : i32
      %add3A_94 = arith.constant 0 : i32
      %add3A_95 = arith.addi %mul3A_93, %add3A_94 : i32
      %add3A_96 = arith.constant 3 : i32
      %add3A_97 = arith.addi %add3A_95, %add3A_96 : i32
      %lt3A = arith.constant 200 : i32
      %lt3A_98 = arith.cmpi slt, %add3A_97, %lt3A : i32
      %convert_element_type3A = arith.extui %lt3A_98 : i1 to i32
      %cond3A = arith.constant 0 : i32
      %cond3A_99 = arith.cmpi ne, %convert_element_type3A, %cond3A : i32
      scf.if %cond3A_99 {
        %add3A_491 = arith.constant 3 : i32
        %add3A_492 = arith.addi %add3A_95, %add3A_491 : i32
        %dma_start3A_493 = arith.constant 3 : i32
        %dma_start3A_494 = arith.constant 0 : i32
        %dma_start3A_495 = arith.constant 0 : i32
        %dma_start3A_496 = tpu.memref_slice %arg6[%dma_start3A_493, %dma_start3A_494, %dma_start3A_495] : memref<4x128x64xf32, #tpu.memory_space<vmem>> -> memref<1x128x64xf32, #tpu.memory_space<vmem>>
        %dma_start3A_497 = tpu.memref_squeeze %dma_start3A_496 : memref<1x128x64xf32, #tpu.memory_space<vmem>> -> memref<128x64xf32, #tpu.memory_space<vmem>>
        %dma_start3A_498 = arith.constant 0 : i32
        %dma_start3A_499 = tpu.memref_slice %arg5[%add3A_492, %dma_start3A_498] : memref<200x128xi32, #tpu.memory_space<vmem>> -> memref<1x128xi32, #tpu.memory_space<vmem>>
        %dma_start3A_500 = tpu.memref_squeeze %dma_start3A_499 : memref<1x128xi32, #tpu.memory_space<vmem>> -> memref<128xi32, #tpu.memory_space<vmem>>
        %dma_start3A_501 = arith.constant 0 : i32
        %dma_start3A_502 = arith.constant 0 : i32
        %dma_start3A_503 = tpu.memref_slice %arg2[%dma_start3A_501, %dma_start3A_502] : memref<1007616x64xf32, #tpu.memory_space<hbm>> -> memref<1007616x64xf32, #tpu.memory_space<hbm>>
        tpu.enqueue_indirect_dma source(%dma_start3A_503 : memref<1007616x64xf32, #tpu.memory_space<hbm>>) target(%dma_start3A_497 : memref<128x64xf32, #tpu.memory_space<vmem>>) offsets(%dma_start3A_500 : memref<128xi32, #tpu.memory_space<vmem>>) semaphore(%arg11 : memref<!tpu.dma_semaphore, #tpu.memory_space<semaphore_mem>>)
      } else {
      }
      %dma_wait3A = arith.constant 0 : i32
      %dma_wait3A_100 = arith.constant 0 : i32
      %dma_wait3A_101 = arith.constant 0 : i32
      %dma_wait3A_102 = tpu.memref_slice %arg6[%dma_wait3A, %dma_wait3A_100, %dma_wait3A_101] : memref<4x128x64xf32, #tpu.memory_space<vmem>> -> memref<1x128x64xf32, #tpu.memory_space<vmem>>
      %dma_wait3A_103 = tpu.memref_squeeze %dma_wait3A_102 : memref<1x128x64xf32, #tpu.memory_space<vmem>> -> memref<128x64xf32, #tpu.memory_space<vmem>>
      %dma_wait3A_104 = arith.constant 0 : i32
      %dma_wait3A_105 = tpu.memref_slice %arg5[%add3A_95, %dma_wait3A_104] : memref<200x128xi32, #tpu.memory_space<vmem>> -> memref<1x128xi32, #tpu.memory_space<vmem>>
      %dma_wait3A_106 = tpu.memref_squeeze %dma_wait3A_105 : memref<1x128xi32, #tpu.memory_space<vmem>> -> memref<128xi32, #tpu.memory_space<vmem>>
      %dma_wait3A_107 = arith.constant 0 : i32
      %dma_wait3A_108 = arith.constant 0 : i32
      %dma_wait3A_109 = tpu.memref_slice %arg2[%dma_wait3A_107, %dma_wait3A_108] : memref<1007616x64xf32, #tpu.memory_space<hbm>> -> memref<1007616x64xf32, #tpu.memory_space<hbm>>
      tpu.wait_indirect_dma semaphore(%arg8 : memref<!tpu.dma_semaphore, #tpu.memory_space<semaphore_mem>>) src(%dma_wait3A_109 : memref<1007616x64xf32, #tpu.memory_space<hbm>>) dst(%dma_wait3A_103 : memref<128x64xf32, #tpu.memory_space<vmem>>)
      %mul3A_110 = arith.constant 128 : i32
      %mul3A_111 = arith.muli %mul3A_110, %add3A_95 : i32
      %jit3A = arith.constant 200 : i32
      %eq3A = arith.constant 0 : i32
      %eq3A_112 = arith.cmpi eq, %jit3A, %eq3A : i32
      %jit3A_113 = arith.constant 1 : i32
      %select_n3A = arith.select %eq3A_112, %jit3A_113, %jit3A : i32
      %rem3A = arith.remsi %mul3A_111, %select_n3A : i32
      %ne3A = arith.constant 0 : i32
      %ne3A_114 = arith.cmpi ne, %rem3A, %ne3A : i32
      %lt3A_115 = arith.constant 0 : i32
      %lt3A_116 = arith.cmpi slt, %rem3A, %lt3A_115 : i32
      %lt3A_117 = arith.constant 0 : i32
      %lt3A_118 = arith.cmpi slt, %select_n3A, %lt3A_117 : i32
      %ne3A_119 = arith.xori %lt3A_116, %lt3A_118 : i1
      %and3A = arith.andi %ne3A_119, %ne3A_114 : i1
      %add3A_120 = arith.addi %rem3A, %select_n3A : i32
      %select_n3A_121 = arith.select %and3A, %add3A_120, %rem3A : i32
      %sub3A = arith.constant 200 : i32
      %sub3A_122 = arith.subi %sub3A, %select_n3A_121 : i32
      %jit3A_123 = arith.constant 200 : i32
      %eq3A_124 = arith.constant 0 : i32
      %eq3A_125 = arith.cmpi eq, %jit3A_123, %eq3A_124 : i32
      %jit3A_126 = arith.constant 1 : i32
      %select_n3A_127 = arith.select %eq3A_125, %jit3A_126, %jit3A_123 : i32
      %rem3A_128 = arith.remsi %sub3A_122, %select_n3A_127 : i32
      %ne3A_129 = arith.constant 0 : i32
      %ne3A_130 = arith.cmpi ne, %rem3A_128, %ne3A_129 : i32
      %lt3A_131 = arith.constant 0 : i32
      %lt3A_132 = arith.cmpi slt, %rem3A_128, %lt3A_131 : i32
      %lt3A_133 = arith.constant 0 : i32
      %lt3A_134 = arith.cmpi slt, %select_n3A_127, %lt3A_133 : i32
      %ne3A_135 = arith.xori %lt3A_132, %lt3A_134 : i1
      %and3A_136 = arith.andi %ne3A_135, %ne3A_130 : i1
      %add3A_137 = arith.addi %rem3A_128, %select_n3A_127 : i32
      %select_n3A_138 = arith.select %and3A_136, %add3A_137, %rem3A_128 : i32
      %min3A = arith.constant 128 : i32
      %min3A_139 = arith.minsi %select_n3A_138, %min3A : i32
      %lt3A_140 = arith.constant 128 : i32
      %lt3A_141 = arith.cmpi slt, %select_n3A_138, %lt3A_140 : i32
      %gt3A = arith.constant 0 : i32
      %gt3A_142 = arith.cmpi sgt, %add3A_95, %gt3A : i32
      %gt3A_143 = arith.constant 0 : i32
      %gt3A_144 = arith.cmpi sgt, %select_n3A_138, %gt3A_143 : i32
      %or3A = arith.ori %gt3A_142, %gt3A_144 : i1
      %and3A_145 = arith.andi %lt3A_141, %or3A : i1
      %while3A = arith.constant 0 : i32
      %while3A_146 = arith.subi %min3A_139, %while3A : i32
      %while3A_147 = arith.addi %while3A, %while3A_146 : i32
      %while3A_148 = arith.constant 1 : i32
      %while3A_149 = arith.divsi %while3A_146, %while3A_148 : i32
      %while3A_150 = arith.muli %while3A_149, %while3A_148 : i32
      %while3A_151 = arith.addi %while3A, %while3A_150 : i32
      %while3A_152 = arith.constant 1 : i32
      %while3A_153:4 = scf.for %while3A_491 = %while3A to %while3A_151 step %while3A_152 iter_args(%while3A_492 = %scan3A_88, %while3A_493 = %scan3A_89, %while3A_494 = %scan3A_90, %while3A_495 = %scan3A_91) -> (vector<16xf32>, vector<16xf32>, vector<16xf32>, vector<16xf32>)  : i32 {
        %get3A = arith.constant 0 : i32
        %get3A_496 = arith.index_cast %get3A : i32 to index
        %get3A_497 = arith.index_cast %while3A_491 : i32 to index
        %get3A_498 = arith.constant 0 : index
        %get3A_499 = tpu.vector_load %arg6[%get3A_496, %get3A_497, %get3A_498] {strides = array<i32>} : memref<4x128x64xf32, #tpu.memory_space<vmem>>, vector<1x1x16xf32>,
        %get3A_500 = vector.shape_cast %get3A_499 : vector<1x1x16xf32> to vector<16xf32>
        %add3A_501 = arith.addf %while3A_492, %get3A_500 : vector<16xf32>
        %get3A_502 = arith.constant 0 : i32
        %get3A_503 = arith.index_cast %get3A_502 : i32 to index
        %get3A_504 = arith.index_cast %while3A_491 : i32 to index
        %get3A_505 = arith.constant 16 : index
        %get3A_506 = tpu.vector_load %arg6[%get3A_503, %get3A_504, %get3A_505] {strides = array<i32>} : memref<4x128x64xf32, #tpu.memory_space<vmem>>, vector<1x1x16xf32>,
        %get3A_507 = vector.shape_cast %get3A_506 : vector<1x1x16xf32> to vector<16xf32>
        %add3A_508 = arith.addf %while3A_493, %get3A_507 : vector<16xf32>
        %get3A_509 = arith.constant 0 : i32
        %get3A_510 = arith.index_cast %get3A_509 : i32 to index
        %get3A_511 = arith.index_cast %while3A_491 : i32 to index
        %get3A_512 = arith.constant 32 : index
        %get3A_513 = tpu.vector_load %arg6[%get3A_510, %get3A_511, %get3A_512] {strides = array<i32>} : memref<4x128x64xf32, #tpu.memory_space<vmem>>, vector<1x1x16xf32>,
        %get3A_514 = vector.shape_cast %get3A_513 : vector<1x1x16xf32> to vector<16xf32>
        %add3A_515 = arith.addf %while3A_494, %get3A_514 : vector<16xf32>
        %get3A_516 = arith.constant 0 : i32
        %get3A_517 = arith.index_cast %get3A_516 : i32 to index
        %get3A_518 = arith.index_cast %while3A_491 : i32 to index
        %get3A_519 = arith.constant 48 : index
        %get3A_520 = tpu.vector_load %arg6[%get3A_517, %get3A_518, %get3A_519] {strides = array<i32>} : memref<4x128x64xf32, #tpu.memory_space<vmem>>, vector<1x1x16xf32>,
        %get3A_521 = vector.shape_cast %get3A_520 : vector<1x1x16xf32> to vector<16xf32>
        %add3A_522 = arith.addf %while3A_495, %get3A_521 : vector<16xf32>
        scf.yield %add3A_501, %add3A_508, %add3A_515, %add3A_522 : vector<16xf32>, vector<16xf32>, vector<16xf32>, vector<16xf32>
      }
      %while3A_154 = arith.constant 1 : i32
      %while3A_155:4 = scf.for %while3A_491 = %while3A_151 to %while3A_147 step %while3A_154 iter_args(%while3A_492 = %while3A_153#0, %while3A_493 = %while3A_153#1, %while3A_494 = %while3A_153#2, %while3A_495 = %while3A_153#3) -> (vector<16xf32>, vector<16xf32>, vector<16xf32>, vector<16xf32>)  : i32 {
        %get3A = arith.constant 0 : i32
        %get3A_496 = arith.index_cast %get3A : i32 to index
        %get3A_497 = arith.index_cast %while3A_491 : i32 to index
        %get3A_498 = arith.constant 0 : index
        %get3A_499 = tpu.vector_load %arg6[%get3A_496, %get3A_497, %get3A_498] {strides = array<i32>} : memref<4x128x64xf32, #tpu.memory_space<vmem>>, vector<1x1x16xf32>,
        %get3A_500 = vector.shape_cast %get3A_499 : vector<1x1x16xf32> to vector<16xf32>
        %add3A_501 = arith.addf %while3A_492, %get3A_500 : vector<16xf32>
        %get3A_502 = arith.constant 0 : i32
        %get3A_503 = arith.index_cast %get3A_502 : i32 to index
        %get3A_504 = arith.index_cast %while3A_491 : i32 to index
        %get3A_505 = arith.constant 16 : index
        %get3A_506 = tpu.vector_load %arg6[%get3A_503, %get3A_504, %get3A_505] {strides = array<i32>} : memref<4x128x64xf32, #tpu.memory_space<vmem>>, vector<1x1x16xf32>,
        %get3A_507 = vector.shape_cast %get3A_506 : vector<1x1x16xf32> to vector<16xf32>
        %add3A_508 = arith.addf %while3A_493, %get3A_507 : vector<16xf32>
        %get3A_509 = arith.constant 0 : i32
        %get3A_510 = arith.index_cast %get3A_509 : i32 to index
        %get3A_511 = arith.index_cast %while3A_491 : i32 to index
        %get3A_512 = arith.constant 32 : index
        %get3A_513 = tpu.vector_load %arg6[%get3A_510, %get3A_511, %get3A_512] {strides = array<i32>} : memref<4x128x64xf32, #tpu.memory_space<vmem>>, vector<1x1x16xf32>,
        %get3A_514 = vector.shape_cast %get3A_513 : vector<1x1x16xf32> to vector<16xf32>
        %add3A_515 = arith.addf %while3A_494, %get3A_514 : vector<16xf32>
        %get3A_516 = arith.constant 0 : i32
        %get3A_517 = arith.index_cast %get3A_516 : i32 to index
        %get3A_518 = arith.index_cast %while3A_491 : i32 to index
        %get3A_519 = arith.constant 48 : index
        %get3A_520 = tpu.vector_load %arg6[%get3A_517, %get3A_518, %get3A_519] {strides = array<i32>} : memref<4x128x64xf32, #tpu.memory_space<vmem>>, vector<1x1x16xf32>,
        %get3A_521 = vector.shape_cast %get3A_520 : vector<1x1x16xf32> to vector<16xf32>
        %add3A_522 = arith.addf %while3A_495, %get3A_521 : vector<16xf32>
        scf.yield %add3A_501, %add3A_508, %add3A_515, %add3A_522 : vector<16xf32>, vector<16xf32>, vector<16xf32>, vector<16xf32>
      }
      %convert_element_type3A_156 = arith.extui %and3A_145 : i1 to i32
      %cond3A_157 = arith.constant 0 : i32
      %cond3A_158 = arith.cmpi ne, %convert_element_type3A_156, %cond3A_157 : i32
      scf.if %cond3A_158 {
        %mul3A_491 = arith.constant 128 : i32
        %mul3A_492 = arith.muli %mul3A_491, %add3A_95 : i32
        %add3A_493 = arith.addi %mul3A_492, %min3A_139 : i32
        %sub3A_494 = arith.constant 1 : i32
        %sub3A_495 = arith.subi %add3A_493, %sub3A_494 : i32
        %jit3A_496 = arith.constant 200 : i32
        %div3A = arith.divsi %sub3A_495, %jit3A_496 : i32
        %sign3A = arith.constant 0 : i32
        %sign3A_497 = arith.cmpi sgt, %sub3A_495, %sign3A : i32
        %sign3A_498 = arith.extui %sign3A_497 : i1 to i32
        %sign3A_499 = arith.constant 0 : i32
        %sign3A_500 = arith.cmpi slt, %sub3A_495, %sign3A_499 : i32
        %sign3A_501 = arith.extui %sign3A_500 : i1 to i32
        %sign3A_502 = arith.subi %sign3A_498, %sign3A_501 : i32
        %sign3A_503 = arith.constant 0 : i32
        %sign3A_504 = arith.cmpi sgt, %jit3A_496, %sign3A_503 : i32
        %sign3A_505 = arith.extui %sign3A_504 : i1 to i32
        %sign3A_506 = arith.constant 0 : i32
        %sign3A_507 = arith.cmpi slt, %jit3A_496, %sign3A_506 : i32
        %sign3A_508 = arith.extui %sign3A_507 : i1 to i32
        %sign3A_509 = arith.subi %sign3A_505, %sign3A_508 : i32
        %ne3A_510 = arith.cmpi ne, %sign3A_502, %sign3A_509 : i32
        %rem3A_511 = arith.remsi %sub3A_495, %jit3A_496 : i32
        %ne3A_512 = arith.constant 0 : i32
        %ne3A_513 = arith.cmpi ne, %rem3A_511, %ne3A_512 : i32
        %and3A_514 = arith.andi %ne3A_510, %ne3A_513 : i1
        %sub3A_515 = arith.constant 1 : i32
        %sub3A_516 = arith.subi %div3A, %sub3A_515 : i32
        %select_n3A_517 = arith.select %and3A_514, %sub3A_516, %div3A : i32
        %mul3A_518 = arith.constant 5.000000e-03 : f32
        %mul3A_519 = vector.broadcast %mul3A_518 : f32 to vector<16xf32>
        %mul3A_520 = arith.mulf %while3A_155#0, %mul3A_519 : vector<16xf32>
        %swap3A_521 = arith.index_cast %select_n3A_517 : i32 to index
        %swap3A_522 = arith.constant 0 : index
        %swap3A_523 = tpu.vector_load %arg7[%swap3A_521, %swap3A_522] {strides = array<i32>} : memref<128x64xf32, #tpu.memory_space<vmem>>, vector<1x16xf32>,
        %swap3A_524 = vector.shape_cast %swap3A_523 : vector<1x16xf32> to vector<16xf32>
        %swap3A_525 = vector.shape_cast %mul3A_520 : vector<16xf32> to vector<1x16xf32>
        tpu.vector_store %arg7[%swap3A_521, %swap3A_522], %swap3A_525 {strides = array<i32>} : memref<128x64xf32, #tpu.memory_space<vmem>>, vector<1x16xf32>,
        %mul3A_526 = arith.constant 5.000000e-03 : f32
        %mul3A_527 = vector.broadcast %mul3A_526 : f32 to vector<16xf32>
        %mul3A_528 = arith.mulf %while3A_155#1, %mul3A_527 : vector<16xf32>
        %swap3A_529 = arith.index_cast %select_n3A_517 : i32 to index
        %swap3A_530 = arith.constant 16 : index
        %swap3A_531 = tpu.vector_load %arg7[%swap3A_529, %swap3A_530] {strides = array<i32>} : memref<128x64xf32, #tpu.memory_space<vmem>>, vector<1x16xf32>,
        %swap3A_532 = vector.shape_cast %swap3A_531 : vector<1x16xf32> to vector<16xf32>
        %swap3A_533 = vector.shape_cast %mul3A_528 : vector<16xf32> to vector<1x16xf32>
        tpu.vector_store %arg7[%swap3A_529, %swap3A_530], %swap3A_533 {strides = array<i32>} : memref<128x64xf32, #tpu.memory_space<vmem>>, vector<1x16xf32>,
        %mul3A_534 = arith.constant 5.000000e-03 : f32
        %mul3A_535 = vector.broadcast %mul3A_534 : f32 to vector<16xf32>
        %mul3A_536 = arith.mulf %while3A_155#2, %mul3A_535 : vector<16xf32>
        %swap3A_537 = arith.index_cast %select_n3A_517 : i32 to index
        %swap3A_538 = arith.constant 32 : index
        %swap3A_539 = tpu.vector_load %arg7[%swap3A_537, %swap3A_538] {strides = array<i32>} : memref<128x64xf32, #tpu.memory_space<vmem>>, vector<1x16xf32>,
        %swap3A_540 = vector.shape_cast %swap3A_539 : vector<1x16xf32> to vector<16xf32>
        %swap3A_541 = vector.shape_cast %mul3A_536 : vector<16xf32> to vector<1x16xf32>
        tpu.vector_store %arg7[%swap3A_537, %swap3A_538], %swap3A_541 {strides = array<i32>} : memref<128x64xf32, #tpu.memory_space<vmem>>, vector<1x16xf32>,
        %mul3A_542 = arith.constant 5.000000e-03 : f32
        %mul3A_543 = vector.broadcast %mul3A_542 : f32 to vector<16xf32>
        %mul3A_544 = arith.mulf %while3A_155#3, %mul3A_543 : vector<16xf32>
        %swap3A_545 = arith.index_cast %select_n3A_517 : i32 to index
        %swap3A_546 = arith.constant 48 : index
        %swap3A_547 = tpu.vector_load %arg7[%swap3A_545, %swap3A_546] {strides = array<i32>} : memref<128x64xf32, #tpu.memory_space<vmem>>, vector<1x16xf32>,
        %swap3A_548 = vector.shape_cast %swap3A_547 : vector<1x16xf32> to vector<16xf32>
        %swap3A_549 = vector.shape_cast %mul3A_544 : vector<16xf32> to vector<1x16xf32>
        tpu.vector_store %arg7[%swap3A_545, %swap3A_546], %swap3A_549 {strides = array<i32>} : memref<128x64xf32, #tpu.memory_space<vmem>>, vector<1x16xf32>,
      } else {
      }
      %broadcast_in_dim3A_159 = arith.constant 0.000000e+00 : f32
      %broadcast_in_dim3A_160 = vector.broadcast %broadcast_in_dim3A_159 : f32 to vector<16xf32>
      %select_n3A_161 = arith.select %and3A_145, %broadcast_in_dim3A_160, %while3A_155#0 : vector<16xf32>
      %broadcast_in_dim3A_162 = arith.constant 0.000000e+00 : f32
      %broadcast_in_dim3A_163 = vector.broadcast %broadcast_in_dim3A_162 : f32 to vector<16xf32>
      %select_n3A_164 = arith.select %and3A_145, %broadcast_in_dim3A_163, %while3A_155#1 : vector<16xf32>
      %broadcast_in_dim3A_165 = arith.constant 0.000000e+00 : f32
      %broadcast_in_dim3A_166 = vector.broadcast %broadcast_in_dim3A_165 : f32 to vector<16xf32>
      %select_n3A_167 = arith.select %and3A_145, %broadcast_in_dim3A_166, %while3A_155#2 : vector<16xf32>
      %broadcast_in_dim3A_168 = arith.constant 0.000000e+00 : f32
      %broadcast_in_dim3A_169 = vector.broadcast %broadcast_in_dim3A_168 : f32 to vector<16xf32>
      %select_n3A_170 = arith.select %and3A_145, %broadcast_in_dim3A_169, %while3A_155#3 : vector<16xf32>
      %while3A_171 = arith.constant 128 : i32
      %while3A_172 = arith.subi %while3A_171, %min3A_139 : i32
      %while3A_173 = arith.addi %min3A_139, %while3A_172 : i32
      %while3A_174 = arith.constant 1 : i32
      %while3A_175 = arith.divsi %while3A_172, %while3A_174 : i32
      %while3A_176 = arith.muli %while3A_175, %while3A_174 : i32
      %while3A_177 = arith.addi %min3A_139, %while3A_176 : i32
      %while3A_178 = arith.constant 1 : i32
      %while3A_179:4 = scf.for %while3A_491 = %min3A_139 to %while3A_177 step %while3A_178 iter_args(%while3A_492 = %select_n3A_161, %while3A_493 = %select_n3A_164, %while3A_494 = %select_n3A_167, %while3A_495 = %select_n3A_170) -> (vector<16xf32>, vector<16xf32>, vector<16xf32>, vector<16xf32>)  : i32 {
        %get3A = arith.constant 0 : i32
        %get3A_496 = arith.index_cast %get3A : i32 to index
        %get3A_497 = arith.index_cast %while3A_491 : i32 to index
        %get3A_498 = arith.constant 0 : index
        %get3A_499 = tpu.vector_load %arg6[%get3A_496, %get3A_497, %get3A_498] {strides = array<i32>} : memref<4x128x64xf32, #tpu.memory_space<vmem>>, vector<1x1x16xf32>,
        %get3A_500 = vector.shape_cast %get3A_499 : vector<1x1x16xf32> to vector<16xf32>
        %add3A_501 = arith.addf %while3A_492, %get3A_500 : vector<16xf32>
        %get3A_502 = arith.constant 0 : i32
        %get3A_503 = arith.index_cast %get3A_502 : i32 to index
        %get3A_504 = arith.index_cast %while3A_491 : i32 to index
        %get3A_505 = arith.constant 16 : index
        %get3A_506 = tpu.vector_load %arg6[%get3A_503, %get3A_504, %get3A_505] {strides = array<i32>} : memref<4x128x64xf32, #tpu.memory_space<vmem>>, vector<1x1x16xf32>,
        %get3A_507 = vector.shape_cast %get3A_506 : vector<1x1x16xf32> to vector<16xf32>
        %add3A_508 = arith.addf %while3A_493, %get3A_507 : vector<16xf32>
        %get3A_509 = arith.constant 0 : i32
        %get3A_510 = arith.index_cast %get3A_509 : i32 to index
        %get3A_511 = arith.index_cast %while3A_491 : i32 to index
        %get3A_512 = arith.constant 32 : index
        %get3A_513 = tpu.vector_load %arg6[%get3A_510, %get3A_511, %get3A_512] {strides = array<i32>} : memref<4x128x64xf32, #tpu.memory_space<vmem>>, vector<1x1x16xf32>,
        %get3A_514 = vector.shape_cast %get3A_513 : vector<1x1x16xf32> to vector<16xf32>
        %add3A_515 = arith.addf %while3A_494, %get3A_514 : vector<16xf32>
        %get3A_516 = arith.constant 0 : i32
        %get3A_517 = arith.index_cast %get3A_516 : i32 to index
        %get3A_518 = arith.index_cast %while3A_491 : i32 to index
        %get3A_519 = arith.constant 48 : index
        %get3A_520 = tpu.vector_load %arg6[%get3A_517, %get3A_518, %get3A_519] {strides = array<i32>} : memref<4x128x64xf32, #tpu.memory_space<vmem>>, vector<1x1x16xf32>,
        %get3A_521 = vector.shape_cast %get3A_520 : vector<1x1x16xf32> to vector<16xf32>
        %add3A_522 = arith.addf %while3A_495, %get3A_521 : vector<16xf32>
        scf.yield %add3A_501, %add3A_508, %add3A_515, %add3A_522 : vector<16xf32>, vector<16xf32>, vector<16xf32>, vector<16xf32>
      }
      %while3A_180 = arith.constant 1 : i32
      %while3A_181:4 = scf.for %while3A_491 = %while3A_177 to %while3A_173 step %while3A_180 iter_args(%while3A_492 = %while3A_179#0, %while3A_493 = %while3A_179#1, %while3A_494 = %while3A_179#2, %while3A_495 = %while3A_179#3) -> (vector<16xf32>, vector<16xf32>, vector<16xf32>, vector<16xf32>)  : i32 {
        %get3A = arith.constant 0 : i32
        %get3A_496 = arith.index_cast %get3A : i32 to index
        %get3A_497 = arith.index_cast %while3A_491 : i32 to index
        %get3A_498 = arith.constant 0 : index
        %get3A_499 = tpu.vector_load %arg6[%get3A_496, %get3A_497, %get3A_498] {strides = array<i32>} : memref<4x128x64xf32, #tpu.memory_space<vmem>>, vector<1x1x16xf32>,
        %get3A_500 = vector.shape_cast %get3A_499 : vector<1x1x16xf32> to vector<16xf32>
        %add3A_501 = arith.addf %while3A_492, %get3A_500 : vector<16xf32>
        %get3A_502 = arith.constant 0 : i32
        %get3A_503 = arith.index_cast %get3A_502 : i32 to index
        %get3A_504 = arith.index_cast %while3A_491 : i32 to index
        %get3A_505 = arith.constant 16 : index
        %get3A_506 = tpu.vector_load %arg6[%get3A_503, %get3A_504, %get3A_505] {strides = array<i32>} : memref<4x128x64xf32, #tpu.memory_space<vmem>>, vector<1x1x16xf32>,
        %get3A_507 = vector.shape_cast %get3A_506 : vector<1x1x16xf32> to vector<16xf32>
        %add3A_508 = arith.addf %while3A_493, %get3A_507 : vector<16xf32>
        %get3A_509 = arith.constant 0 : i32
        %get3A_510 = arith.index_cast %get3A_509 : i32 to index
        %get3A_511 = arith.index_cast %while3A_491 : i32 to index
        %get3A_512 = arith.constant 32 : index
        %get3A_513 = tpu.vector_load %arg6[%get3A_510, %get3A_511, %get3A_512] {strides = array<i32>} : memref<4x128x64xf32, #tpu.memory_space<vmem>>, vector<1x1x16xf32>,
        %get3A_514 = vector.shape_cast %get3A_513 : vector<1x1x16xf32> to vector<16xf32>
        %add3A_515 = arith.addf %while3A_494, %get3A_514 : vector<16xf32>
        %get3A_516 = arith.constant 0 : i32
        %get3A_517 = arith.index_cast %get3A_516 : i32 to index
        %get3A_518 = arith.index_cast %while3A_491 : i32 to index
        %get3A_519 = arith.constant 48 : index
        %get3A_520 = tpu.vector_load %arg6[%get3A_517, %get3A_518, %get3A_519] {strides = array<i32>} : memref<4x128x64xf32, #tpu.memory_space<vmem>>, vector<1x1x16xf32>,
        %get3A_521 = vector.shape_cast %get3A_520 : vector<1x1x16xf32> to vector<16xf32>
        %add3A_522 = arith.addf %while3A_495, %get3A_521 : vector<16xf32>
        scf.yield %add3A_501, %add3A_508, %add3A_515, %add3A_522 : vector<16xf32>, vector<16xf32>, vector<16xf32>, vector<16xf32>
      }
      %add3A_182 = arith.constant 1 : i32
      %add3A_183 = arith.addi %mul3A_93, %add3A_182 : i32
      %add3A_184 = arith.constant 3 : i32
      %add3A_185 = arith.addi %add3A_183, %add3A_184 : i32
      %lt3A_186 = arith.constant 200 : i32
      %lt3A_187 = arith.cmpi slt, %add3A_185, %lt3A_186 : i32
      %convert_element_type3A_188 = arith.extui %lt3A_187 : i1 to i32
      %cond3A_189 = arith.constant 0 : i32
      %cond3A_190 = arith.cmpi ne, %convert_element_type3A_188, %cond3A_189 : i32
      scf.if %cond3A_190 {
        %add3A_491 = arith.constant 3 : i32
        %add3A_492 = arith.addi %add3A_183, %add3A_491 : i32
        %dma_start3A_493 = arith.constant 0 : i32
        %dma_start3A_494 = arith.constant 0 : i32
        %dma_start3A_495 = arith.constant 0 : i32
        %dma_start3A_496 = tpu.memref_slice %arg6[%dma_start3A_493, %dma_start3A_494, %dma_start3A_495] : memref<4x128x64xf32, #tpu.memory_space<vmem>> -> memref<1x128x64xf32, #tpu.memory_space<vmem>>
        %dma_start3A_497 = tpu.memref_squeeze %dma_start3A_496 : memref<1x128x64xf32, #tpu.memory_space<vmem>> -> memref<128x64xf32, #tpu.memory_space<vmem>>
        %dma_start3A_498 = arith.constant 0 : i32
        %dma_start3A_499 = tpu.memref_slice %arg5[%add3A_492, %dma_start3A_498] : memref<200x128xi32, #tpu.memory_space<vmem>> -> memref<1x128xi32, #tpu.memory_space<vmem>>
        %dma_start3A_500 = tpu.memref_squeeze %dma_start3A_499 : memref<1x128xi32, #tpu.memory_space<vmem>> -> memref<128xi32, #tpu.memory_space<vmem>>
        %dma_start3A_501 = arith.constant 0 : i32
        %dma_start3A_502 = arith.constant 0 : i32
        %dma_start3A_503 = tpu.memref_slice %arg2[%dma_start3A_501, %dma_start3A_502] : memref<1007616x64xf32, #tpu.memory_space<hbm>> -> memref<1007616x64xf32, #tpu.memory_space<hbm>>
        tpu.enqueue_indirect_dma source(%dma_start3A_503 : memref<1007616x64xf32, #tpu.memory_space<hbm>>) target(%dma_start3A_497 : memref<128x64xf32, #tpu.memory_space<vmem>>) offsets(%dma_start3A_500 : memref<128xi32, #tpu.memory_space<vmem>>) semaphore(%arg8 : memref<!tpu.dma_semaphore, #tpu.memory_space<semaphore_mem>>)
      } else {
      }
      %dma_wait3A_191 = arith.constant 1 : i32
      %dma_wait3A_192 = arith.constant 0 : i32
      %dma_wait3A_193 = arith.constant 0 : i32
      %dma_wait3A_194 = tpu.memref_slice %arg6[%dma_wait3A_191, %dma_wait3A_192, %dma_wait3A_193] : memref<4x128x64xf32, #tpu.memory_space<vmem>> -> memref<1x128x64xf32, #tpu.memory_space<vmem>>
      %dma_wait3A_195 = tpu.memref_squeeze %dma_wait3A_194 : memref<1x128x64xf32, #tpu.memory_space<vmem>> -> memref<128x64xf32, #tpu.memory_space<vmem>>
      %dma_wait3A_196 = arith.constant 0 : i32
      %dma_wait3A_197 = tpu.memref_slice %arg5[%add3A_183, %dma_wait3A_196] : memref<200x128xi32, #tpu.memory_space<vmem>> -> memref<1x128xi32, #tpu.memory_space<vmem>>
      %dma_wait3A_198 = tpu.memref_squeeze %dma_wait3A_197 : memref<1x128xi32, #tpu.memory_space<vmem>> -> memref<128xi32, #tpu.memory_space<vmem>>
      %dma_wait3A_199 = arith.constant 0 : i32
      %dma_wait3A_200 = arith.constant 0 : i32
      %dma_wait3A_201 = tpu.memref_slice %arg2[%dma_wait3A_199, %dma_wait3A_200] : memref<1007616x64xf32, #tpu.memory_space<hbm>> -> memref<1007616x64xf32, #tpu.memory_space<hbm>>
      tpu.wait_indirect_dma semaphore(%arg9 : memref<!tpu.dma_semaphore, #tpu.memory_space<semaphore_mem>>) src(%dma_wait3A_201 : memref<1007616x64xf32, #tpu.memory_space<hbm>>) dst(%dma_wait3A_195 : memref<128x64xf32, #tpu.memory_space<vmem>>)
      %mul3A_202 = arith.constant 128 : i32
      %mul3A_203 = arith.muli %mul3A_202, %add3A_183 : i32
      %jit3A_204 = arith.constant 200 : i32
      %eq3A_205 = arith.constant 0 : i32
      %eq3A_206 = arith.cmpi eq, %jit3A_204, %eq3A_205 : i32
      %jit3A_207 = arith.constant 1 : i32
      %select_n3A_208 = arith.select %eq3A_206, %jit3A_207, %jit3A_204 : i32
      %rem3A_209 = arith.remsi %mul3A_203, %select_n3A_208 : i32
      %ne3A_210 = arith.constant 0 : i32
      %ne3A_211 = arith.cmpi ne, %rem3A_209, %ne3A_210 : i32
      %lt3A_212 = arith.constant 0 : i32
      %lt3A_213 = arith.cmpi slt, %rem3A_209, %lt3A_212 : i32
      %lt3A_214 = arith.constant 0 : i32
      %lt3A_215 = arith.cmpi slt, %select_n3A_208, %lt3A_214 : i32
      %ne3A_216 = arith.xori %lt3A_213, %lt3A_215 : i1
      %and3A_217 = arith.andi %ne3A_216, %ne3A_211 : i1
      %add3A_218 = arith.addi %rem3A_209, %select_n3A_208 : i32
      %select_n3A_219 = arith.select %and3A_217, %add3A_218, %rem3A_209 : i32
      %sub3A_220 = arith.constant 200 : i32
      %sub3A_221 = arith.subi %sub3A_220, %select_n3A_219 : i32
      %jit3A_222 = arith.constant 200 : i32
      %eq3A_223 = arith.constant 0 : i32
      %eq3A_224 = arith.cmpi eq, %jit3A_222, %eq3A_223 : i32
      %jit3A_225 = arith.constant 1 : i32
      %select_n3A_226 = arith.select %eq3A_224, %jit3A_225, %jit3A_222 : i32
      %rem3A_227 = arith.remsi %sub3A_221, %select_n3A_226 : i32
      %ne3A_228 = arith.constant 0 : i32
      %ne3A_229 = arith.cmpi ne, %rem3A_227, %ne3A_228 : i32
      %lt3A_230 = arith.constant 0 : i32
      %lt3A_231 = arith.cmpi slt, %rem3A_227, %lt3A_230 : i32
      %lt3A_232 = arith.constant 0 : i32
      %lt3A_233 = arith.cmpi slt, %select_n3A_226, %lt3A_232 : i32
      %ne3A_234 = arith.xori %lt3A_231, %lt3A_233 : i1
      %and3A_235 = arith.andi %ne3A_234, %ne3A_229 : i1
      %add3A_236 = arith.addi %rem3A_227, %select_n3A_226 : i32
      %select_n3A_237 = arith.select %and3A_235, %add3A_236, %rem3A_227 : i32
      %min3A_238 = arith.constant 128 : i32
      %min3A_239 = arith.minsi %select_n3A_237, %min3A_238 : i32
      %lt3A_240 = arith.constant 128 : i32
      %lt3A_241 = arith.cmpi slt, %select_n3A_237, %lt3A_240 : i32
      %gt3A_242 = arith.constant 0 : i32
      %gt3A_243 = arith.cmpi sgt, %add3A_183, %gt3A_242 : i32
      %gt3A_244 = arith.constant 0 : i32
      %gt3A_245 = arith.cmpi sgt, %select_n3A_237, %gt3A_244 : i32
      %or3A_246 = arith.ori %gt3A_243, %gt3A_245 : i1
      %and3A_247 = arith.andi %lt3A_241, %or3A_246 : i1
      %while3A_248 = arith.constant 0 : i32
      %while3A_249 = arith.subi %min3A_239, %while3A_248 : i32
      %while3A_250 = arith.addi %while3A_248, %while3A_249 : i32
      %while3A_251 = arith.constant 1 : i32
      %while3A_252 = arith.divsi %while3A_249, %while3A_251 : i32
      %while3A_253 = arith.muli %while3A_252, %while3A_251 : i32
      %while3A_254 = arith.addi %while3A_248, %while3A_253 : i32
      %while3A_255 = arith.constant 1 : i32
      %while3A_256:4 = scf.for %while3A_491 = %while3A_248 to %while3A_254 step %while3A_255 iter_args(%while3A_492 = %while3A_181#0, %while3A_493 = %while3A_181#1, %while3A_494 = %while3A_181#2, %while3A_495 = %while3A_181#3) -> (vector<16xf32>, vector<16xf32>, vector<16xf32>, vector<16xf32>)  : i32 {
        %get3A = arith.constant 1 : i32
        %get3A_496 = arith.index_cast %get3A : i32 to index
        %get3A_497 = arith.index_cast %while3A_491 : i32 to index
        %get3A_498 = arith.constant 0 : index
        %get3A_499 = tpu.vector_load %arg6[%get3A_496, %get3A_497, %get3A_498] {strides = array<i32>} : memref<4x128x64xf32, #tpu.memory_space<vmem>>, vector<1x1x16xf32>,
        %get3A_500 = vector.shape_cast %get3A_499 : vector<1x1x16xf32> to vector<16xf32>
        %add3A_501 = arith.addf %while3A_492, %get3A_500 : vector<16xf32>
        %get3A_502 = arith.constant 1 : i32
        %get3A_503 = arith.index_cast %get3A_502 : i32 to index
        %get3A_504 = arith.index_cast %while3A_491 : i32 to index
        %get3A_505 = arith.constant 16 : index
        %get3A_506 = tpu.vector_load %arg6[%get3A_503, %get3A_504, %get3A_505] {strides = array<i32>} : memref<4x128x64xf32, #tpu.memory_space<vmem>>, vector<1x1x16xf32>,
        %get3A_507 = vector.shape_cast %get3A_506 : vector<1x1x16xf32> to vector<16xf32>
        %add3A_508 = arith.addf %while3A_493, %get3A_507 : vector<16xf32>
        %get3A_509 = arith.constant 1 : i32
        %get3A_510 = arith.index_cast %get3A_509 : i32 to index
        %get3A_511 = arith.index_cast %while3A_491 : i32 to index
        %get3A_512 = arith.constant 32 : index
        %get3A_513 = tpu.vector_load %arg6[%get3A_510, %get3A_511, %get3A_512] {strides = array<i32>} : memref<4x128x64xf32, #tpu.memory_space<vmem>>, vector<1x1x16xf32>,
        %get3A_514 = vector.shape_cast %get3A_513 : vector<1x1x16xf32> to vector<16xf32>
        %add3A_515 = arith.addf %while3A_494, %get3A_514 : vector<16xf32>
        %get3A_516 = arith.constant 1 : i32
        %get3A_517 = arith.index_cast %get3A_516 : i32 to index
        %get3A_518 = arith.index_cast %while3A_491 : i32 to index
        %get3A_519 = arith.constant 48 : index
        %get3A_520 = tpu.vector_load %arg6[%get3A_517, %get3A_518, %get3A_519] {strides = array<i32>} : memref<4x128x64xf32, #tpu.memory_space<vmem>>, vector<1x1x16xf32>,
        %get3A_521 = vector.shape_cast %get3A_520 : vector<1x1x16xf32> to vector<16xf32>
        %add3A_522 = arith.addf %while3A_495, %get3A_521 : vector<16xf32>
        scf.yield %add3A_501, %add3A_508, %add3A_515, %add3A_522 : vector<16xf32>, vector<16xf32>, vector<16xf32>, vector<16xf32>
      }
      %while3A_257 = arith.constant 1 : i32
      %while3A_258:4 = scf.for %while3A_491 = %while3A_254 to %while3A_250 step %while3A_257 iter_args(%while3A_492 = %while3A_256#0, %while3A_493 = %while3A_256#1, %while3A_494 = %while3A_256#2, %while3A_495 = %while3A_256#3) -> (vector<16xf32>, vector<16xf32>, vector<16xf32>, vector<16xf32>)  : i32 {
        %get3A = arith.constant 1 : i32
        %get3A_496 = arith.index_cast %get3A : i32 to index
        %get3A_497 = arith.index_cast %while3A_491 : i32 to index
        %get3A_498 = arith.constant 0 : index
        %get3A_499 = tpu.vector_load %arg6[%get3A_496, %get3A_497, %get3A_498] {strides = array<i32>} : memref<4x128x64xf32, #tpu.memory_space<vmem>>, vector<1x1x16xf32>,
        %get3A_500 = vector.shape_cast %get3A_499 : vector<1x1x16xf32> to vector<16xf32>
        %add3A_501 = arith.addf %while3A_492, %get3A_500 : vector<16xf32>
        %get3A_502 = arith.constant 1 : i32
        %get3A_503 = arith.index_cast %get3A_502 : i32 to index
        %get3A_504 = arith.index_cast %while3A_491 : i32 to index
        %get3A_505 = arith.constant 16 : index
        %get3A_506 = tpu.vector_load %arg6[%get3A_503, %get3A_504, %get3A_505] {strides = array<i32>} : memref<4x128x64xf32, #tpu.memory_space<vmem>>, vector<1x1x16xf32>,
        %get3A_507 = vector.shape_cast %get3A_506 : vector<1x1x16xf32> to vector<16xf32>
        %add3A_508 = arith.addf %while3A_493, %get3A_507 : vector<16xf32>
        %get3A_509 = arith.constant 1 : i32
        %get3A_510 = arith.index_cast %get3A_509 : i32 to index
        %get3A_511 = arith.index_cast %while3A_491 : i32 to index
        %get3A_512 = arith.constant 32 : index
        %get3A_513 = tpu.vector_load %arg6[%get3A_510, %get3A_511, %get3A_512] {strides = array<i32>} : memref<4x128x64xf32, #tpu.memory_space<vmem>>, vector<1x1x16xf32>,
        %get3A_514 = vector.shape_cast %get3A_513 : vector<1x1x16xf32> to vector<16xf32>
        %add3A_515 = arith.addf %while3A_494, %get3A_514 : vector<16xf32>
        %get3A_516 = arith.constant 1 : i32
        %get3A_517 = arith.index_cast %get3A_516 : i32 to index
        %get3A_518 = arith.index_cast %while3A_491 : i32 to index
        %get3A_519 = arith.constant 48 : index
        %get3A_520 = tpu.vector_load %arg6[%get3A_517, %get3A_518, %get3A_519] {strides = array<i32>} : memref<4x128x64xf32, #tpu.memory_space<vmem>>, vector<1x1x16xf32>,
        %get3A_521 = vector.shape_cast %get3A_520 : vector<1x1x16xf32> to vector<16xf32>
        %add3A_522 = arith.addf %while3A_495, %get3A_521 : vector<16xf32>
        scf.yield %add3A_501, %add3A_508, %add3A_515, %add3A_522 : vector<16xf32>, vector<16xf32>, vector<16xf32>, vector<16xf32>
      }
      %convert_element_type3A_259 = arith.extui %and3A_247 : i1 to i32
      %cond3A_260 = arith.constant 0 : i32
      %cond3A_261 = arith.cmpi ne, %convert_element_type3A_259, %cond3A_260 : i32
      scf.if %cond3A_261 {
        %mul3A_491 = arith.constant 128 : i32
        %mul3A_492 = arith.muli %mul3A_491, %add3A_183 : i32
        %add3A_493 = arith.addi %mul3A_492, %min3A_239 : i32
        %sub3A_494 = arith.constant 1 : i32
        %sub3A_495 = arith.subi %add3A_493, %sub3A_494 : i32
        %jit3A_496 = arith.constant 200 : i32
        %div3A = arith.divsi %sub3A_495, %jit3A_496 : i32
        %sign3A = arith.constant 0 : i32
        %sign3A_497 = arith.cmpi sgt, %sub3A_495, %sign3A : i32
        %sign3A_498 = arith.extui %sign3A_497 : i1 to i32
        %sign3A_499 = arith.constant 0 : i32
        %sign3A_500 = arith.cmpi slt, %sub3A_495, %sign3A_499 : i32
        %sign3A_501 = arith.extui %sign3A_500 : i1 to i32
        %sign3A_502 = arith.subi %sign3A_498, %sign3A_501 : i32
        %sign3A_503 = arith.constant 0 : i32
        %sign3A_504 = arith.cmpi sgt, %jit3A_496, %sign3A_503 : i32
        %sign3A_505 = arith.extui %sign3A_504 : i1 to i32
        %sign3A_506 = arith.constant 0 : i32
        %sign3A_507 = arith.cmpi slt, %jit3A_496, %sign3A_506 : i32
        %sign3A_508 = arith.extui %sign3A_507 : i1 to i32
        %sign3A_509 = arith.subi %sign3A_505, %sign3A_508 : i32
        %ne3A_510 = arith.cmpi ne, %sign3A_502, %sign3A_509 : i32
        %rem3A_511 = arith.remsi %sub3A_495, %jit3A_496 : i32
        %ne3A_512 = arith.constant 0 : i32
        %ne3A_513 = arith.cmpi ne, %rem3A_511, %ne3A_512 : i32
        %and3A_514 = arith.andi %ne3A_510, %ne3A_513 : i1
        %sub3A_515 = arith.constant 1 : i32
        %sub3A_516 = arith.subi %div3A, %sub3A_515 : i32
        %select_n3A_517 = arith.select %and3A_514, %sub3A_516, %div3A : i32
        %mul3A_518 = arith.constant 5.000000e-03 : f32
        %mul3A_519 = vector.broadcast %mul3A_518 : f32 to vector<16xf32>
        %mul3A_520 = arith.mulf %while3A_258#0, %mul3A_519 : vector<16xf32>
        %swap3A_521 = arith.index_cast %select_n3A_517 : i32 to index
        %swap3A_522 = arith.constant 0 : index
        %swap3A_523 = tpu.vector_load %arg7[%swap3A_521, %swap3A_522] {strides = array<i32>} : memref<128x64xf32, #tpu.memory_space<vmem>>, vector<1x16xf32>,
        %swap3A_524 = vector.shape_cast %swap3A_523 : vector<1x16xf32> to vector<16xf32>
        %swap3A_525 = vector.shape_cast %mul3A_520 : vector<16xf32> to vector<1x16xf32>
        tpu.vector_store %arg7[%swap3A_521, %swap3A_522], %swap3A_525 {strides = array<i32>} : memref<128x64xf32, #tpu.memory_space<vmem>>, vector<1x16xf32>,
        %mul3A_526 = arith.constant 5.000000e-03 : f32
        %mul3A_527 = vector.broadcast %mul3A_526 : f32 to vector<16xf32>
        %mul3A_528 = arith.mulf %while3A_258#1, %mul3A_527 : vector<16xf32>
        %swap3A_529 = arith.index_cast %select_n3A_517 : i32 to index
        %swap3A_530 = arith.constant 16 : index
        %swap3A_531 = tpu.vector_load %arg7[%swap3A_529, %swap3A_530] {strides = array<i32>} : memref<128x64xf32, #tpu.memory_space<vmem>>, vector<1x16xf32>,
        %swap3A_532 = vector.shape_cast %swap3A_531 : vector<1x16xf32> to vector<16xf32>
        %swap3A_533 = vector.shape_cast %mul3A_528 : vector<16xf32> to vector<1x16xf32>
        tpu.vector_store %arg7[%swap3A_529, %swap3A_530], %swap3A_533 {strides = array<i32>} : memref<128x64xf32, #tpu.memory_space<vmem>>, vector<1x16xf32>,
        %mul3A_534 = arith.constant 5.000000e-03 : f32
        %mul3A_535 = vector.broadcast %mul3A_534 : f32 to vector<16xf32>
        %mul3A_536 = arith.mulf %while3A_258#2, %mul3A_535 : vector<16xf32>
        %swap3A_537 = arith.index_cast %select_n3A_517 : i32 to index
        %swap3A_538 = arith.constant 32 : index
        %swap3A_539 = tpu.vector_load %arg7[%swap3A_537, %swap3A_538] {strides = array<i32>} : memref<128x64xf32, #tpu.memory_space<vmem>>, vector<1x16xf32>,
        %swap3A_540 = vector.shape_cast %swap3A_539 : vector<1x16xf32> to vector<16xf32>
        %swap3A_541 = vector.shape_cast %mul3A_536 : vector<16xf32> to vector<1x16xf32>
        tpu.vector_store %arg7[%swap3A_537, %swap3A_538], %swap3A_541 {strides = array<i32>} : memref<128x64xf32, #tpu.memory_space<vmem>>, vector<1x16xf32>,
        %mul3A_542 = arith.constant 5.000000e-03 : f32
        %mul3A_543 = vector.broadcast %mul3A_542 : f32 to vector<16xf32>
        %mul3A_544 = arith.mulf %while3A_258#3, %mul3A_543 : vector<16xf32>
        %swap3A_545 = arith.index_cast %select_n3A_517 : i32 to index
        %swap3A_546 = arith.constant 48 : index
        %swap3A_547 = tpu.vector_load %arg7[%swap3A_545, %swap3A_546] {strides = array<i32>} : memref<128x64xf32, #tpu.memory_space<vmem>>, vector<1x16xf32>,
        %swap3A_548 = vector.shape_cast %swap3A_547 : vector<1x16xf32> to vector<16xf32>
        %swap3A_549 = vector.shape_cast %mul3A_544 : vector<16xf32> to vector<1x16xf32>
        tpu.vector_store %arg7[%swap3A_545, %swap3A_546], %swap3A_549 {strides = array<i32>} : memref<128x64xf32, #tpu.memory_space<vmem>>, vector<1x16xf32>,
      } else {
      }
      %broadcast_in_dim3A_262 = arith.constant 0.000000e+00 : f32
      %broadcast_in_dim3A_263 = vector.broadcast %broadcast_in_dim3A_262 : f32 to vector<16xf32>
      %select_n3A_264 = arith.select %and3A_247, %broadcast_in_dim3A_263, %while3A_258#0 : vector<16xf32>
      %broadcast_in_dim3A_265 = arith.constant 0.000000e+00 : f32
      %broadcast_in_dim3A_266 = vector.broadcast %broadcast_in_dim3A_265 : f32 to vector<16xf32>
      %select_n3A_267 = arith.select %and3A_247, %broadcast_in_dim3A_266, %while3A_258#1 : vector<16xf32>
      %broadcast_in_dim3A_268 = arith.constant 0.000000e+00 : f32
      %broadcast_in_dim3A_269 = vector.broadcast %broadcast_in_dim3A_268 : f32 to vector<16xf32>
      %select_n3A_270 = arith.select %and3A_247, %broadcast_in_dim3A_269, %while3A_258#2 : vector<16xf32>
      %broadcast_in_dim3A_271 = arith.constant 0.000000e+00 : f32
      %broadcast_in_dim3A_272 = vector.broadcast %broadcast_in_dim3A_271 : f32 to vector<16xf32>
      %select_n3A_273 = arith.select %and3A_247, %broadcast_in_dim3A_272, %while3A_258#3 : vector<16xf32>
      %while3A_274 = arith.constant 128 : i32
      %while3A_275 = arith.subi %while3A_274, %min3A_239 : i32
      %while3A_276 = arith.addi %min3A_239, %while3A_275 : i32
      %while3A_277 = arith.constant 1 : i32
      %while3A_278 = arith.divsi %while3A_275, %while3A_277 : i32
      %while3A_279 = arith.muli %while3A_278, %while3A_277 : i32
      %while3A_280 = arith.addi %min3A_239, %while3A_279 : i32
      %while3A_281 = arith.constant 1 : i32
      %while3A_282:4 = scf.for %while3A_491 = %min3A_239 to %while3A_280 step %while3A_281 iter_args(%while3A_492 = %select_n3A_264, %while3A_493 = %select_n3A_267, %while3A_494 = %select_n3A_270, %while3A_495 = %select_n3A_273) -> (vector<16xf32>, vector<16xf32>, vector<16xf32>, vector<16xf32>)  : i32 {
        %get3A = arith.constant 1 : i32
        %get3A_496 = arith.index_cast %get3A : i32 to index
        %get3A_497 = arith.index_cast %while3A_491 : i32 to index
        %get3A_498 = arith.constant 0 : index
        %get3A_499 = tpu.vector_load %arg6[%get3A_496, %get3A_497, %get3A_498] {strides = array<i32>} : memref<4x128x64xf32, #tpu.memory_space<vmem>>, vector<1x1x16xf32>,
        %get3A_500 = vector.shape_cast %get3A_499 : vector<1x1x16xf32> to vector<16xf32>
        %add3A_501 = arith.addf %while3A_492, %get3A_500 : vector<16xf32>
        %get3A_502 = arith.constant 1 : i32
        %get3A_503 = arith.index_cast %get3A_502 : i32 to index
        %get3A_504 = arith.index_cast %while3A_491 : i32 to index
        %get3A_505 = arith.constant 16 : index
        %get3A_506 = tpu.vector_load %arg6[%get3A_503, %get3A_504, %get3A_505] {strides = array<i32>} : memref<4x128x64xf32, #tpu.memory_space<vmem>>, vector<1x1x16xf32>,
        %get3A_507 = vector.shape_cast %get3A_506 : vector<1x1x16xf32> to vector<16xf32>
        %add3A_508 = arith.addf %while3A_493, %get3A_507 : vector<16xf32>
        %get3A_509 = arith.constant 1 : i32
        %get3A_510 = arith.index_cast %get3A_509 : i32 to index
        %get3A_511 = arith.index_cast %while3A_491 : i32 to index
        %get3A_512 = arith.constant 32 : index
        %get3A_513 = tpu.vector_load %arg6[%get3A_510, %get3A_511, %get3A_512] {strides = array<i32>} : memref<4x128x64xf32, #tpu.memory_space<vmem>>, vector<1x1x16xf32>,
        %get3A_514 = vector.shape_cast %get3A_513 : vector<1x1x16xf32> to vector<16xf32>
        %add3A_515 = arith.addf %while3A_494, %get3A_514 : vector<16xf32>
        %get3A_516 = arith.constant 1 : i32
        %get3A_517 = arith.index_cast %get3A_516 : i32 to index
        %get3A_518 = arith.index_cast %while3A_491 : i32 to index
        %get3A_519 = arith.constant 48 : index
        %get3A_520 = tpu.vector_load %arg6[%get3A_517, %get3A_518, %get3A_519] {strides = array<i32>} : memref<4x128x64xf32, #tpu.memory_space<vmem>>, vector<1x1x16xf32>,
        %get3A_521 = vector.shape_cast %get3A_520 : vector<1x1x16xf32> to vector<16xf32>
        %add3A_522 = arith.addf %while3A_495, %get3A_521 : vector<16xf32>
        scf.yield %add3A_501, %add3A_508, %add3A_515, %add3A_522 : vector<16xf32>, vector<16xf32>, vector<16xf32>, vector<16xf32>
      }
      %while3A_283 = arith.constant 1 : i32
      %while3A_284:4 = scf.for %while3A_491 = %while3A_280 to %while3A_276 step %while3A_283 iter_args(%while3A_492 = %while3A_282#0, %while3A_493 = %while3A_282#1, %while3A_494 = %while3A_282#2, %while3A_495 = %while3A_282#3) -> (vector<16xf32>, vector<16xf32>, vector<16xf32>, vector<16xf32>)  : i32 {
        %get3A = arith.constant 1 : i32
        %get3A_496 = arith.index_cast %get3A : i32 to index
        %get3A_497 = arith.index_cast %while3A_491 : i32 to index
        %get3A_498 = arith.constant 0 : index
        %get3A_499 = tpu.vector_load %arg6[%get3A_496, %get3A_497, %get3A_498] {strides = array<i32>} : memref<4x128x64xf32, #tpu.memory_space<vmem>>, vector<1x1x16xf32>,
        %get3A_500 = vector.shape_cast %get3A_499 : vector<1x1x16xf32> to vector<16xf32>
        %add3A_501 = arith.addf %while3A_492, %get3A_500 : vector<16xf32>
        %get3A_502 = arith.constant 1 : i32
        %get3A_503 = arith.index_cast %get3A_502 : i32 to index
        %get3A_504 = arith.index_cast %while3A_491 : i32 to index
        %get3A_505 = arith.constant 16 : index
        %get3A_506 = tpu.vector_load %arg6[%get3A_503, %get3A_504, %get3A_505] {strides = array<i32>} : memref<4x128x64xf32, #tpu.memory_space<vmem>>, vector<1x1x16xf32>,
        %get3A_507 = vector.shape_cast %get3A_506 : vector<1x1x16xf32> to vector<16xf32>
        %add3A_508 = arith.addf %while3A_493, %get3A_507 : vector<16xf32>
        %get3A_509 = arith.constant 1 : i32
        %get3A_510 = arith.index_cast %get3A_509 : i32 to index
        %get3A_511 = arith.index_cast %while3A_491 : i32 to index
        %get3A_512 = arith.constant 32 : index
        %get3A_513 = tpu.vector_load %arg6[%get3A_510, %get3A_511, %get3A_512] {strides = array<i32>} : memref<4x128x64xf32, #tpu.memory_space<vmem>>, vector<1x1x16xf32>,
        %get3A_514 = vector.shape_cast %get3A_513 : vector<1x1x16xf32> to vector<16xf32>
        %add3A_515 = arith.addf %while3A_494, %get3A_514 : vector<16xf32>
        %get3A_516 = arith.constant 1 : i32
        %get3A_517 = arith.index_cast %get3A_516 : i32 to index
        %get3A_518 = arith.index_cast %while3A_491 : i32 to index
        %get3A_519 = arith.constant 48 : index
        %get3A_520 = tpu.vector_load %arg6[%get3A_517, %get3A_518, %get3A_519] {strides = array<i32>} : memref<4x128x64xf32, #tpu.memory_space<vmem>>, vector<1x1x16xf32>,
        %get3A_521 = vector.shape_cast %get3A_520 : vector<1x1x16xf32> to vector<16xf32>
        %add3A_522 = arith.addf %while3A_495, %get3A_521 : vector<16xf32>
        scf.yield %add3A_501, %add3A_508, %add3A_515, %add3A_522 : vector<16xf32>, vector<16xf32>, vector<16xf32>, vector<16xf32>
      }
      %add3A_285 = arith.constant 2 : i32
      %add3A_286 = arith.addi %mul3A_93, %add3A_285 : i32
      %add3A_287 = arith.constant 3 : i32
      %add3A_288 = arith.addi %add3A_286, %add3A_287 : i32
      %lt3A_289 = arith.constant 200 : i32
      %lt3A_290 = arith.cmpi slt, %add3A_288, %lt3A_289 : i32
      %convert_element_type3A_291 = arith.extui %lt3A_290 : i1 to i32
      %cond3A_292 = arith.constant 0 : i32
      %cond3A_293 = arith.cmpi ne, %convert_element_type3A_291, %cond3A_292 : i32
      scf.if %cond3A_293 {
        %add3A_491 = arith.constant 3 : i32
        %add3A_492 = arith.addi %add3A_286, %add3A_491 : i32
        %dma_start3A_493 = arith.constant 1 : i32
        %dma_start3A_494 = arith.constant 0 : i32
        %dma_start3A_495 = arith.constant 0 : i32
        %dma_start3A_496 = tpu.memref_slice %arg6[%dma_start3A_493, %dma_start3A_494, %dma_start3A_495] : memref<4x128x64xf32, #tpu.memory_space<vmem>> -> memref<1x128x64xf32, #tpu.memory_space<vmem>>
        %dma_start3A_497 = tpu.memref_squeeze %dma_start3A_496 : memref<1x128x64xf32, #tpu.memory_space<vmem>> -> memref<128x64xf32, #tpu.memory_space<vmem>>
        %dma_start3A_498 = arith.constant 0 : i32
        %dma_start3A_499 = tpu.memref_slice %arg5[%add3A_492, %dma_start3A_498] : memref<200x128xi32, #tpu.memory_space<vmem>> -> memref<1x128xi32, #tpu.memory_space<vmem>>
        %dma_start3A_500 = tpu.memref_squeeze %dma_start3A_499 : memref<1x128xi32, #tpu.memory_space<vmem>> -> memref<128xi32, #tpu.memory_space<vmem>>
        %dma_start3A_501 = arith.constant 0 : i32
        %dma_start3A_502 = arith.constant 0 : i32
        %dma_start3A_503 = tpu.memref_slice %arg2[%dma_start3A_501, %dma_start3A_502] : memref<1007616x64xf32, #tpu.memory_space<hbm>> -> memref<1007616x64xf32, #tpu.memory_space<hbm>>
        tpu.enqueue_indirect_dma source(%dma_start3A_503 : memref<1007616x64xf32, #tpu.memory_space<hbm>>) target(%dma_start3A_497 : memref<128x64xf32, #tpu.memory_space<vmem>>) offsets(%dma_start3A_500 : memref<128xi32, #tpu.memory_space<vmem>>) semaphore(%arg9 : memref<!tpu.dma_semaphore, #tpu.memory_space<semaphore_mem>>)
      } else {
      }
      %dma_wait3A_294 = arith.constant 2 : i32
      %dma_wait3A_295 = arith.constant 0 : i32
      %dma_wait3A_296 = arith.constant 0 : i32
      %dma_wait3A_297 = tpu.memref_slice %arg6[%dma_wait3A_294, %dma_wait3A_295, %dma_wait3A_296] : memref<4x128x64xf32, #tpu.memory_space<vmem>> -> memref<1x128x64xf32, #tpu.memory_space<vmem>>
      %dma_wait3A_298 = tpu.memref_squeeze %dma_wait3A_297 : memref<1x128x64xf32, #tpu.memory_space<vmem>> -> memref<128x64xf32, #tpu.memory_space<vmem>>
      %dma_wait3A_299 = arith.constant 0 : i32
      %dma_wait3A_300 = tpu.memref_slice %arg5[%add3A_286, %dma_wait3A_299] : memref<200x128xi32, #tpu.memory_space<vmem>> -> memref<1x128xi32, #tpu.memory_space<vmem>>
      %dma_wait3A_301 = tpu.memref_squeeze %dma_wait3A_300 : memref<1x128xi32, #tpu.memory_space<vmem>> -> memref<128xi32, #tpu.memory_space<vmem>>
      %dma_wait3A_302 = arith.constant 0 : i32
      %dma_wait3A_303 = arith.constant 0 : i32
      %dma_wait3A_304 = tpu.memref_slice %arg2[%dma_wait3A_302, %dma_wait3A_303] : memref<1007616x64xf32, #tpu.memory_space<hbm>> -> memref<1007616x64xf32, #tpu.memory_space<hbm>>
      tpu.wait_indirect_dma semaphore(%arg10 : memref<!tpu.dma_semaphore, #tpu.memory_space<semaphore_mem>>) src(%dma_wait3A_304 : memref<1007616x64xf32, #tpu.memory_space<hbm>>) dst(%dma_wait3A_298 : memref<128x64xf32, #tpu.memory_space<vmem>>)
      %mul3A_305 = arith.constant 128 : i32
      %mul3A_306 = arith.muli %mul3A_305, %add3A_286 : i32
      %jit3A_307 = arith.constant 200 : i32
      %eq3A_308 = arith.constant 0 : i32
      %eq3A_309 = arith.cmpi eq, %jit3A_307, %eq3A_308 : i32
      %jit3A_310 = arith.constant 1 : i32
      %select_n3A_311 = arith.select %eq3A_309, %jit3A_310, %jit3A_307 : i32
      %rem3A_312 = arith.remsi %mul3A_306, %select_n3A_311 : i32
      %ne3A_313 = arith.constant 0 : i32
      %ne3A_314 = arith.cmpi ne, %rem3A_312, %ne3A_313 : i32
      %lt3A_315 = arith.constant 0 : i32
      %lt3A_316 = arith.cmpi slt, %rem3A_312, %lt3A_315 : i32
      %lt3A_317 = arith.constant 0 : i32
      %lt3A_318 = arith.cmpi slt, %select_n3A_311, %lt3A_317 : i32
      %ne3A_319 = arith.xori %lt3A_316, %lt3A_318 : i1
      %and3A_320 = arith.andi %ne3A_319, %ne3A_314 : i1
      %add3A_321 = arith.addi %rem3A_312, %select_n3A_311 : i32
      %select_n3A_322 = arith.select %and3A_320, %add3A_321, %rem3A_312 : i32
      %sub3A_323 = arith.constant 200 : i32
      %sub3A_324 = arith.subi %sub3A_323, %select_n3A_322 : i32
      %jit3A_325 = arith.constant 200 : i32
      %eq3A_326 = arith.constant 0 : i32
      %eq3A_327 = arith.cmpi eq, %jit3A_325, %eq3A_326 : i32
      %jit3A_328 = arith.constant 1 : i32
      %select_n3A_329 = arith.select %eq3A_327, %jit3A_328, %jit3A_325 : i32
      %rem3A_330 = arith.remsi %sub3A_324, %select_n3A_329 : i32
      %ne3A_331 = arith.constant 0 : i32
      %ne3A_332 = arith.cmpi ne, %rem3A_330, %ne3A_331 : i32
      %lt3A_333 = arith.constant 0 : i32
      %lt3A_334 = arith.cmpi slt, %rem3A_330, %lt3A_333 : i32
      %lt3A_335 = arith.constant 0 : i32
      %lt3A_336 = arith.cmpi slt, %select_n3A_329, %lt3A_335 : i32
      %ne3A_337 = arith.xori %lt3A_334, %lt3A_336 : i1
      %and3A_338 = arith.andi %ne3A_337, %ne3A_332 : i1
      %add3A_339 = arith.addi %rem3A_330, %select_n3A_329 : i32
      %select_n3A_340 = arith.select %and3A_338, %add3A_339, %rem3A_330 : i32
      %min3A_341 = arith.constant 128 : i32
      %min3A_342 = arith.minsi %select_n3A_340, %min3A_341 : i32
      %lt3A_343 = arith.constant 128 : i32
      %lt3A_344 = arith.cmpi slt, %select_n3A_340, %lt3A_343 : i32
      %gt3A_345 = arith.constant 0 : i32
      %gt3A_346 = arith.cmpi sgt, %add3A_286, %gt3A_345 : i32
      %gt3A_347 = arith.constant 0 : i32
      %gt3A_348 = arith.cmpi sgt, %select_n3A_340, %gt3A_347 : i32
      %or3A_349 = arith.ori %gt3A_346, %gt3A_348 : i1
      %and3A_350 = arith.andi %lt3A_344, %or3A_349 : i1
      %while3A_351 = arith.constant 0 : i32
      %while3A_352 = arith.subi %min3A_342, %while3A_351 : i32
      %while3A_353 = arith.addi %while3A_351, %while3A_352 : i32
      %while3A_354 = arith.constant 1 : i32
      %while3A_355 = arith.divsi %while3A_352, %while3A_354 : i32
      %while3A_356 = arith.muli %while3A_355, %while3A_354 : i32
      %while3A_357 = arith.addi %while3A_351, %while3A_356 : i32
      %while3A_358 = arith.constant 1 : i32
      %while3A_359:4 = scf.for %while3A_491 = %while3A_351 to %while3A_357 step %while3A_358 iter_args(%while3A_492 = %while3A_284#0, %while3A_493 = %while3A_284#1, %while3A_494 = %while3A_284#2, %while3A_495 = %while3A_284#3) -> (vector<16xf32>, vector<16xf32>, vector<16xf32>, vector<16xf32>)  : i32 {
        %get3A = arith.constant 2 : i32
        %get3A_496 = arith.index_cast %get3A : i32 to index
        %get3A_497 = arith.index_cast %while3A_491 : i32 to index
        %get3A_498 = arith.constant 0 : index
        %get3A_499 = tpu.vector_load %arg6[%get3A_496, %get3A_497, %get3A_498] {strides = array<i32>} : memref<4x128x64xf32, #tpu.memory_space<vmem>>, vector<1x1x16xf32>,
        %get3A_500 = vector.shape_cast %get3A_499 : vector<1x1x16xf32> to vector<16xf32>
        %add3A_501 = arith.addf %while3A_492, %get3A_500 : vector<16xf32>
        %get3A_502 = arith.constant 2 : i32
        %get3A_503 = arith.index_cast %get3A_502 : i32 to index
        %get3A_504 = arith.index_cast %while3A_491 : i32 to index
        %get3A_505 = arith.constant 16 : index
        %get3A_506 = tpu.vector_load %arg6[%get3A_503, %get3A_504, %get3A_505] {strides = array<i32>} : memref<4x128x64xf32, #tpu.memory_space<vmem>>, vector<1x1x16xf32>,
        %get3A_507 = vector.shape_cast %get3A_506 : vector<1x1x16xf32> to vector<16xf32>
        %add3A_508 = arith.addf %while3A_493, %get3A_507 : vector<16xf32>
        %get3A_509 = arith.constant 2 : i32
        %get3A_510 = arith.index_cast %get3A_509 : i32 to index
        %get3A_511 = arith.index_cast %while3A_491 : i32 to index
        %get3A_512 = arith.constant 32 : index
        %get3A_513 = tpu.vector_load %arg6[%get3A_510, %get3A_511, %get3A_512] {strides = array<i32>} : memref<4x128x64xf32, #tpu.memory_space<vmem>>, vector<1x1x16xf32>,
        %get3A_514 = vector.shape_cast %get3A_513 : vector<1x1x16xf32> to vector<16xf32>
        %add3A_515 = arith.addf %while3A_494, %get3A_514 : vector<16xf32>
        %get3A_516 = arith.constant 2 : i32
        %get3A_517 = arith.index_cast %get3A_516 : i32 to index
        %get3A_518 = arith.index_cast %while3A_491 : i32 to index
        %get3A_519 = arith.constant 48 : index
        %get3A_520 = tpu.vector_load %arg6[%get3A_517, %get3A_518, %get3A_519] {strides = array<i32>} : memref<4x128x64xf32, #tpu.memory_space<vmem>>, vector<1x1x16xf32>,
        %get3A_521 = vector.shape_cast %get3A_520 : vector<1x1x16xf32> to vector<16xf32>
        %add3A_522 = arith.addf %while3A_495, %get3A_521 : vector<16xf32>
        scf.yield %add3A_501, %add3A_508, %add3A_515, %add3A_522 : vector<16xf32>, vector<16xf32>, vector<16xf32>, vector<16xf32>
      }
      %while3A_360 = arith.constant 1 : i32
      %while3A_361:4 = scf.for %while3A_491 = %while3A_357 to %while3A_353 step %while3A_360 iter_args(%while3A_492 = %while3A_359#0, %while3A_493 = %while3A_359#1, %while3A_494 = %while3A_359#2, %while3A_495 = %while3A_359#3) -> (vector<16xf32>, vector<16xf32>, vector<16xf32>, vector<16xf32>)  : i32 {
        %get3A = arith.constant 2 : i32
        %get3A_496 = arith.index_cast %get3A : i32 to index
        %get3A_497 = arith.index_cast %while3A_491 : i32 to index
        %get3A_498 = arith.constant 0 : index
        %get3A_499 = tpu.vector_load %arg6[%get3A_496, %get3A_497, %get3A_498] {strides = array<i32>} : memref<4x128x64xf32, #tpu.memory_space<vmem>>, vector<1x1x16xf32>,
        %get3A_500 = vector.shape_cast %get3A_499 : vector<1x1x16xf32> to vector<16xf32>
        %add3A_501 = arith.addf %while3A_492, %get3A_500 : vector<16xf32>
        %get3A_502 = arith.constant 2 : i32
        %get3A_503 = arith.index_cast %get3A_502 : i32 to index
        %get3A_504 = arith.index_cast %while3A_491 : i32 to index
        %get3A_505 = arith.constant 16 : index
        %get3A_506 = tpu.vector_load %arg6[%get3A_503, %get3A_504, %get3A_505] {strides = array<i32>} : memref<4x128x64xf32, #tpu.memory_space<vmem>>, vector<1x1x16xf32>,
        %get3A_507 = vector.shape_cast %get3A_506 : vector<1x1x16xf32> to vector<16xf32>
        %add3A_508 = arith.addf %while3A_493, %get3A_507 : vector<16xf32>
        %get3A_509 = arith.constant 2 : i32
        %get3A_510 = arith.index_cast %get3A_509 : i32 to index
        %get3A_511 = arith.index_cast %while3A_491 : i32 to index
        %get3A_512 = arith.constant 32 : index
        %get3A_513 = tpu.vector_load %arg6[%get3A_510, %get3A_511, %get3A_512] {strides = array<i32>} : memref<4x128x64xf32, #tpu.memory_space<vmem>>, vector<1x1x16xf32>,
        %get3A_514 = vector.shape_cast %get3A_513 : vector<1x1x16xf32> to vector<16xf32>
        %add3A_515 = arith.addf %while3A_494, %get3A_514 : vector<16xf32>
        %get3A_516 = arith.constant 2 : i32
        %get3A_517 = arith.index_cast %get3A_516 : i32 to index
        %get3A_518 = arith.index_cast %while3A_491 : i32 to index
        %get3A_519 = arith.constant 48 : index
        %get3A_520 = tpu.vector_load %arg6[%get3A_517, %get3A_518, %get3A_519] {strides = array<i32>} : memref<4x128x64xf32, #tpu.memory_space<vmem>>, vector<1x1x16xf32>,
        %get3A_521 = vector.shape_cast %get3A_520 : vector<1x1x16xf32> to vector<16xf32>
        %add3A_522 = arith.addf %while3A_495, %get3A_521 : vector<16xf32>
        scf.yield %add3A_501, %add3A_508, %add3A_515, %add3A_522 : vector<16xf32>, vector<16xf32>, vector<16xf32>, vector<16xf32>
      }
      %convert_element_type3A_362 = arith.extui %and3A_350 : i1 to i32
      %cond3A_363 = arith.constant 0 : i32
      %cond3A_364 = arith.cmpi ne, %convert_element_type3A_362, %cond3A_363 : i32
      scf.if %cond3A_364 {
        %mul3A_491 = arith.constant 128 : i32
        %mul3A_492 = arith.muli %mul3A_491, %add3A_286 : i32
        %add3A_493 = arith.addi %mul3A_492, %min3A_342 : i32
        %sub3A_494 = arith.constant 1 : i32
        %sub3A_495 = arith.subi %add3A_493, %sub3A_494 : i32
        %jit3A_496 = arith.constant 200 : i32
        %div3A = arith.divsi %sub3A_495, %jit3A_496 : i32
        %sign3A = arith.constant 0 : i32
        %sign3A_497 = arith.cmpi sgt, %sub3A_495, %sign3A : i32
        %sign3A_498 = arith.extui %sign3A_497 : i1 to i32
        %sign3A_499 = arith.constant 0 : i32
        %sign3A_500 = arith.cmpi slt, %sub3A_495, %sign3A_499 : i32
        %sign3A_501 = arith.extui %sign3A_500 : i1 to i32
        %sign3A_502 = arith.subi %sign3A_498, %sign3A_501 : i32
        %sign3A_503 = arith.constant 0 : i32
        %sign3A_504 = arith.cmpi sgt, %jit3A_496, %sign3A_503 : i32
        %sign3A_505 = arith.extui %sign3A_504 : i1 to i32
        %sign3A_506 = arith.constant 0 : i32
        %sign3A_507 = arith.cmpi slt, %jit3A_496, %sign3A_506 : i32
        %sign3A_508 = arith.extui %sign3A_507 : i1 to i32
        %sign3A_509 = arith.subi %sign3A_505, %sign3A_508 : i32
        %ne3A_510 = arith.cmpi ne, %sign3A_502, %sign3A_509 : i32
        %rem3A_511 = arith.remsi %sub3A_495, %jit3A_496 : i32
        %ne3A_512 = arith.constant 0 : i32
        %ne3A_513 = arith.cmpi ne, %rem3A_511, %ne3A_512 : i32
        %and3A_514 = arith.andi %ne3A_510, %ne3A_513 : i1
        %sub3A_515 = arith.constant 1 : i32
        %sub3A_516 = arith.subi %div3A, %sub3A_515 : i32
        %select_n3A_517 = arith.select %and3A_514, %sub3A_516, %div3A : i32
        %mul3A_518 = arith.constant 5.000000e-03 : f32
        %mul3A_519 = vector.broadcast %mul3A_518 : f32 to vector<16xf32>
        %mul3A_520 = arith.mulf %while3A_361#0, %mul3A_519 : vector<16xf32>
        %swap3A_521 = arith.index_cast %select_n3A_517 : i32 to index
        %swap3A_522 = arith.constant 0 : index
        %swap3A_523 = tpu.vector_load %arg7[%swap3A_521, %swap3A_522] {strides = array<i32>} : memref<128x64xf32, #tpu.memory_space<vmem>>, vector<1x16xf32>,
        %swap3A_524 = vector.shape_cast %swap3A_523 : vector<1x16xf32> to vector<16xf32>
        %swap3A_525 = vector.shape_cast %mul3A_520 : vector<16xf32> to vector<1x16xf32>
        tpu.vector_store %arg7[%swap3A_521, %swap3A_522], %swap3A_525 {strides = array<i32>} : memref<128x64xf32, #tpu.memory_space<vmem>>, vector<1x16xf32>,
        %mul3A_526 = arith.constant 5.000000e-03 : f32
        %mul3A_527 = vector.broadcast %mul3A_526 : f32 to vector<16xf32>
        %mul3A_528 = arith.mulf %while3A_361#1, %mul3A_527 : vector<16xf32>
        %swap3A_529 = arith.index_cast %select_n3A_517 : i32 to index
        %swap3A_530 = arith.constant 16 : index
        %swap3A_531 = tpu.vector_load %arg7[%swap3A_529, %swap3A_530] {strides = array<i32>} : memref<128x64xf32, #tpu.memory_space<vmem>>, vector<1x16xf32>,
        %swap3A_532 = vector.shape_cast %swap3A_531 : vector<1x16xf32> to vector<16xf32>
        %swap3A_533 = vector.shape_cast %mul3A_528 : vector<16xf32> to vector<1x16xf32>
        tpu.vector_store %arg7[%swap3A_529, %swap3A_530], %swap3A_533 {strides = array<i32>} : memref<128x64xf32, #tpu.memory_space<vmem>>, vector<1x16xf32>,
        %mul3A_534 = arith.constant 5.000000e-03 : f32
        %mul3A_535 = vector.broadcast %mul3A_534 : f32 to vector<16xf32>
        %mul3A_536 = arith.mulf %while3A_361#2, %mul3A_535 : vector<16xf32>
        %swap3A_537 = arith.index_cast %select_n3A_517 : i32 to index
        %swap3A_538 = arith.constant 32 : index
        %swap3A_539 = tpu.vector_load %arg7[%swap3A_537, %swap3A_538] {strides = array<i32>} : memref<128x64xf32, #tpu.memory_space<vmem>>, vector<1x16xf32>,
        %swap3A_540 = vector.shape_cast %swap3A_539 : vector<1x16xf32> to vector<16xf32>
        %swap3A_541 = vector.shape_cast %mul3A_536 : vector<16xf32> to vector<1x16xf32>
        tpu.vector_store %arg7[%swap3A_537, %swap3A_538], %swap3A_541 {strides = array<i32>} : memref<128x64xf32, #tpu.memory_space<vmem>>, vector<1x16xf32>,
        %mul3A_542 = arith.constant 5.000000e-03 : f32
        %mul3A_543 = vector.broadcast %mul3A_542 : f32 to vector<16xf32>
        %mul3A_544 = arith.mulf %while3A_361#3, %mul3A_543 : vector<16xf32>
        %swap3A_545 = arith.index_cast %select_n3A_517 : i32 to index
        %swap3A_546 = arith.constant 48 : index
        %swap3A_547 = tpu.vector_load %arg7[%swap3A_545, %swap3A_546] {strides = array<i32>} : memref<128x64xf32, #tpu.memory_space<vmem>>, vector<1x16xf32>,
        %swap3A_548 = vector.shape_cast %swap3A_547 : vector<1x16xf32> to vector<16xf32>
        %swap3A_549 = vector.shape_cast %mul3A_544 : vector<16xf32> to vector<1x16xf32>
        tpu.vector_store %arg7[%swap3A_545, %swap3A_546], %swap3A_549 {strides = array<i32>} : memref<128x64xf32, #tpu.memory_space<vmem>>, vector<1x16xf32>,
      } else {
      }
      %broadcast_in_dim3A_365 = arith.constant 0.000000e+00 : f32
      %broadcast_in_dim3A_366 = vector.broadcast %broadcast_in_dim3A_365 : f32 to vector<16xf32>
      %select_n3A_367 = arith.select %and3A_350, %broadcast_in_dim3A_366, %while3A_361#0 : vector<16xf32>
      %broadcast_in_dim3A_368 = arith.constant 0.000000e+00 : f32
      %broadcast_in_dim3A_369 = vector.broadcast %broadcast_in_dim3A_368 : f32 to vector<16xf32>
      %select_n3A_370 = arith.select %and3A_350, %broadcast_in_dim3A_369, %while3A_361#1 : vector<16xf32>
      %broadcast_in_dim3A_371 = arith.constant 0.000000e+00 : f32
      %broadcast_in_dim3A_372 = vector.broadcast %broadcast_in_dim3A_371 : f32 to vector<16xf32>
      %select_n3A_373 = arith.select %and3A_350, %broadcast_in_dim3A_372, %while3A_361#2 : vector<16xf32>
      %broadcast_in_dim3A_374 = arith.constant 0.000000e+00 : f32
      %broadcast_in_dim3A_375 = vector.broadcast %broadcast_in_dim3A_374 : f32 to vector<16xf32>
      %select_n3A_376 = arith.select %and3A_350, %broadcast_in_dim3A_375, %while3A_361#3 : vector<16xf32>
      %while3A_377 = arith.constant 128 : i32
      %while3A_378 = arith.subi %while3A_377, %min3A_342 : i32
      %while3A_379 = arith.addi %min3A_342, %while3A_378 : i32
      %while3A_380 = arith.constant 1 : i32
      %while3A_381 = arith.divsi %while3A_378, %while3A_380 : i32
      %while3A_382 = arith.muli %while3A_381, %while3A_380 : i32
      %while3A_383 = arith.addi %min3A_342, %while3A_382 : i32
      %while3A_384 = arith.constant 1 : i32
      %while3A_385:4 = scf.for %while3A_491 = %min3A_342 to %while3A_383 step %while3A_384 iter_args(%while3A_492 = %select_n3A_367, %while3A_493 = %select_n3A_370, %while3A_494 = %select_n3A_373, %while3A_495 = %select_n3A_376) -> (vector<16xf32>, vector<16xf32>, vector<16xf32>, vector<16xf32>)  : i32 {
        %get3A = arith.constant 2 : i32
        %get3A_496 = arith.index_cast %get3A : i32 to index
        %get3A_497 = arith.index_cast %while3A_491 : i32 to index
        %get3A_498 = arith.constant 0 : index
        %get3A_499 = tpu.vector_load %arg6[%get3A_496, %get3A_497, %get3A_498] {strides = array<i32>} : memref<4x128x64xf32, #tpu.memory_space<vmem>>, vector<1x1x16xf32>,
        %get3A_500 = vector.shape_cast %get3A_499 : vector<1x1x16xf32> to vector<16xf32>
        %add3A_501 = arith.addf %while3A_492, %get3A_500 : vector<16xf32>
        %get3A_502 = arith.constant 2 : i32
        %get3A_503 = arith.index_cast %get3A_502 : i32 to index
        %get3A_504 = arith.index_cast %while3A_491 : i32 to index
        %get3A_505 = arith.constant 16 : index
        %get3A_506 = tpu.vector_load %arg6[%get3A_503, %get3A_504, %get3A_505] {strides = array<i32>} : memref<4x128x64xf32, #tpu.memory_space<vmem>>, vector<1x1x16xf32>,
        %get3A_507 = vector.shape_cast %get3A_506 : vector<1x1x16xf32> to vector<16xf32>
        %add3A_508 = arith.addf %while3A_493, %get3A_507 : vector<16xf32>
        %get3A_509 = arith.constant 2 : i32
        %get3A_510 = arith.index_cast %get3A_509 : i32 to index
        %get3A_511 = arith.index_cast %while3A_491 : i32 to index
        %get3A_512 = arith.constant 32 : index
        %get3A_513 = tpu.vector_load %arg6[%get3A_510, %get3A_511, %get3A_512] {strides = array<i32>} : memref<4x128x64xf32, #tpu.memory_space<vmem>>, vector<1x1x16xf32>,
        %get3A_514 = vector.shape_cast %get3A_513 : vector<1x1x16xf32> to vector<16xf32>
        %add3A_515 = arith.addf %while3A_494, %get3A_514 : vector<16xf32>
        %get3A_516 = arith.constant 2 : i32
        %get3A_517 = arith.index_cast %get3A_516 : i32 to index
        %get3A_518 = arith.index_cast %while3A_491 : i32 to index
        %get3A_519 = arith.constant 48 : index
        %get3A_520 = tpu.vector_load %arg6[%get3A_517, %get3A_518, %get3A_519] {strides = array<i32>} : memref<4x128x64xf32, #tpu.memory_space<vmem>>, vector<1x1x16xf32>,
        %get3A_521 = vector.shape_cast %get3A_520 : vector<1x1x16xf32> to vector<16xf32>
        %add3A_522 = arith.addf %while3A_495, %get3A_521 : vector<16xf32>
        scf.yield %add3A_501, %add3A_508, %add3A_515, %add3A_522 : vector<16xf32>, vector<16xf32>, vector<16xf32>, vector<16xf32>
      }
      %while3A_386 = arith.constant 1 : i32
      %while3A_387:4 = scf.for %while3A_491 = %while3A_383 to %while3A_379 step %while3A_386 iter_args(%while3A_492 = %while3A_385#0, %while3A_493 = %while3A_385#1, %while3A_494 = %while3A_385#2, %while3A_495 = %while3A_385#3) -> (vector<16xf32>, vector<16xf32>, vector<16xf32>, vector<16xf32>)  : i32 {
        %get3A = arith.constant 2 : i32
        %get3A_496 = arith.index_cast %get3A : i32 to index
        %get3A_497 = arith.index_cast %while3A_491 : i32 to index
        %get3A_498 = arith.constant 0 : index
        %get3A_499 = tpu.vector_load %arg6[%get3A_496, %get3A_497, %get3A_498] {strides = array<i32>} : memref<4x128x64xf32, #tpu.memory_space<vmem>>, vector<1x1x16xf32>,
        %get3A_500 = vector.shape_cast %get3A_499 : vector<1x1x16xf32> to vector<16xf32>
        %add3A_501 = arith.addf %while3A_492, %get3A_500 : vector<16xf32>
        %get3A_502 = arith.constant 2 : i32
        %get3A_503 = arith.index_cast %get3A_502 : i32 to index
        %get3A_504 = arith.index_cast %while3A_491 : i32 to index
        %get3A_505 = arith.constant 16 : index
        %get3A_506 = tpu.vector_load %arg6[%get3A_503, %get3A_504, %get3A_505] {strides = array<i32>} : memref<4x128x64xf32, #tpu.memory_space<vmem>>, vector<1x1x16xf32>,
        %get3A_507 = vector.shape_cast %get3A_506 : vector<1x1x16xf32> to vector<16xf32>
        %add3A_508 = arith.addf %while3A_493, %get3A_507 : vector<16xf32>
        %get3A_509 = arith.constant 2 : i32
        %get3A_510 = arith.index_cast %get3A_509 : i32 to index
        %get3A_511 = arith.index_cast %while3A_491 : i32 to index
        %get3A_512 = arith.constant 32 : index
        %get3A_513 = tpu.vector_load %arg6[%get3A_510, %get3A_511, %get3A_512] {strides = array<i32>} : memref<4x128x64xf32, #tpu.memory_space<vmem>>, vector<1x1x16xf32>,
        %get3A_514 = vector.shape_cast %get3A_513 : vector<1x1x16xf32> to vector<16xf32>
        %add3A_515 = arith.addf %while3A_494, %get3A_514 : vector<16xf32>
        %get3A_516 = arith.constant 2 : i32
        %get3A_517 = arith.index_cast %get3A_516 : i32 to index
        %get3A_518 = arith.index_cast %while3A_491 : i32 to index
        %get3A_519 = arith.constant 48 : index
        %get3A_520 = tpu.vector_load %arg6[%get3A_517, %get3A_518, %get3A_519] {strides = array<i32>} : memref<4x128x64xf32, #tpu.memory_space<vmem>>, vector<1x1x16xf32>,
        %get3A_521 = vector.shape_cast %get3A_520 : vector<1x1x16xf32> to vector<16xf32>
        %add3A_522 = arith.addf %while3A_495, %get3A_521 : vector<16xf32>
        scf.yield %add3A_501, %add3A_508, %add3A_515, %add3A_522 : vector<16xf32>, vector<16xf32>, vector<16xf32>, vector<16xf32>
      }
      %add3A_388 = arith.constant 3 : i32
      %add3A_389 = arith.addi %mul3A_93, %add3A_388 : i32
      %add3A_390 = arith.constant 3 : i32
      %add3A_391 = arith.addi %add3A_389, %add3A_390 : i32
      %lt3A_392 = arith.constant 200 : i32
      %lt3A_393 = arith.cmpi slt, %add3A_391, %lt3A_392 : i32
      %convert_element_type3A_394 = arith.extui %lt3A_393 : i1 to i32
      %cond3A_395 = arith.constant 0 : i32
      %cond3A_396 = arith.cmpi ne, %convert_element_type3A_394, %cond3A_395 : i32
      scf.if %cond3A_396 {
        %add3A_491 = arith.constant 3 : i32
        %add3A_492 = arith.addi %add3A_389, %add3A_491 : i32
        %dma_start3A_493 = arith.constant 2 : i32
        %dma_start3A_494 = arith.constant 0 : i32
        %dma_start3A_495 = arith.constant 0 : i32
        %dma_start3A_496 = tpu.memref_slice %arg6[%dma_start3A_493, %dma_start3A_494, %dma_start3A_495] : memref<4x128x64xf32, #tpu.memory_space<vmem>> -> memref<1x128x64xf32, #tpu.memory_space<vmem>>
        %dma_start3A_497 = tpu.memref_squeeze %dma_start3A_496 : memref<1x128x64xf32, #tpu.memory_space<vmem>> -> memref<128x64xf32, #tpu.memory_space<vmem>>
        %dma_start3A_498 = arith.constant 0 : i32
        %dma_start3A_499 = tpu.memref_slice %arg5[%add3A_492, %dma_start3A_498] : memref<200x128xi32, #tpu.memory_space<vmem>> -> memref<1x128xi32, #tpu.memory_space<vmem>>
        %dma_start3A_500 = tpu.memref_squeeze %dma_start3A_499 : memref<1x128xi32, #tpu.memory_space<vmem>> -> memref<128xi32, #tpu.memory_space<vmem>>
        %dma_start3A_501 = arith.constant 0 : i32
        %dma_start3A_502 = arith.constant 0 : i32
        %dma_start3A_503 = tpu.memref_slice %arg2[%dma_start3A_501, %dma_start3A_502] : memref<1007616x64xf32, #tpu.memory_space<hbm>> -> memref<1007616x64xf32, #tpu.memory_space<hbm>>
        tpu.enqueue_indirect_dma source(%dma_start3A_503 : memref<1007616x64xf32, #tpu.memory_space<hbm>>) target(%dma_start3A_497 : memref<128x64xf32, #tpu.memory_space<vmem>>) offsets(%dma_start3A_500 : memref<128xi32, #tpu.memory_space<vmem>>) semaphore(%arg10 : memref<!tpu.dma_semaphore, #tpu.memory_space<semaphore_mem>>)
      } else {
      }
      %dma_wait3A_397 = arith.constant 3 : i32
      %dma_wait3A_398 = arith.constant 0 : i32
      %dma_wait3A_399 = arith.constant 0 : i32
      %dma_wait3A_400 = tpu.memref_slice %arg6[%dma_wait3A_397, %dma_wait3A_398, %dma_wait3A_399] : memref<4x128x64xf32, #tpu.memory_space<vmem>> -> memref<1x128x64xf32, #tpu.memory_space<vmem>>
      %dma_wait3A_401 = tpu.memref_squeeze %dma_wait3A_400 : memref<1x128x64xf32, #tpu.memory_space<vmem>> -> memref<128x64xf32, #tpu.memory_space<vmem>>
      %dma_wait3A_402 = arith.constant 0 : i32
      %dma_wait3A_403 = tpu.memref_slice %arg5[%add3A_389, %dma_wait3A_402] : memref<200x128xi32, #tpu.memory_space<vmem>> -> memref<1x128xi32, #tpu.memory_space<vmem>>
      %dma_wait3A_404 = tpu.memref_squeeze %dma_wait3A_403 : memref<1x128xi32, #tpu.memory_space<vmem>> -> memref<128xi32, #tpu.memory_space<vmem>>
      %dma_wait3A_405 = arith.constant 0 : i32
      %dma_wait3A_406 = arith.constant 0 : i32
      %dma_wait3A_407 = tpu.memref_slice %arg2[%dma_wait3A_405, %dma_wait3A_406] : memref<1007616x64xf32, #tpu.memory_space<hbm>> -> memref<1007616x64xf32, #tpu.memory_space<hbm>>
      tpu.wait_indirect_dma semaphore(%arg11 : memref<!tpu.dma_semaphore, #tpu.memory_space<semaphore_mem>>) src(%dma_wait3A_407 : memref<1007616x64xf32, #tpu.memory_space<hbm>>) dst(%dma_wait3A_401 : memref<128x64xf32, #tpu.memory_space<vmem>>)
      %mul3A_408 = arith.constant 128 : i32
      %mul3A_409 = arith.muli %mul3A_408, %add3A_389 : i32
      %jit3A_410 = arith.constant 200 : i32
      %eq3A_411 = arith.constant 0 : i32
      %eq3A_412 = arith.cmpi eq, %jit3A_410, %eq3A_411 : i32
      %jit3A_413 = arith.constant 1 : i32
      %select_n3A_414 = arith.select %eq3A_412, %jit3A_413, %jit3A_410 : i32
      %rem3A_415 = arith.remsi %mul3A_409, %select_n3A_414 : i32
      %ne3A_416 = arith.constant 0 : i32
      %ne3A_417 = arith.cmpi ne, %rem3A_415, %ne3A_416 : i32
      %lt3A_418 = arith.constant 0 : i32
      %lt3A_419 = arith.cmpi slt, %rem3A_415, %lt3A_418 : i32
      %lt3A_420 = arith.constant 0 : i32
      %lt3A_421 = arith.cmpi slt, %select_n3A_414, %lt3A_420 : i32
      %ne3A_422 = arith.xori %lt3A_419, %lt3A_421 : i1
      %and3A_423 = arith.andi %ne3A_422, %ne3A_417 : i1
      %add3A_424 = arith.addi %rem3A_415, %select_n3A_414 : i32
      %select_n3A_425 = arith.select %and3A_423, %add3A_424, %rem3A_415 : i32
      %sub3A_426 = arith.constant 200 : i32
      %sub3A_427 = arith.subi %sub3A_426, %select_n3A_425 : i32
      %jit3A_428 = arith.constant 200 : i32
      %eq3A_429 = arith.constant 0 : i32
      %eq3A_430 = arith.cmpi eq, %jit3A_428, %eq3A_429 : i32
      %jit3A_431 = arith.constant 1 : i32
      %select_n3A_432 = arith.select %eq3A_430, %jit3A_431, %jit3A_428 : i32
      %rem3A_433 = arith.remsi %sub3A_427, %select_n3A_432 : i32
      %ne3A_434 = arith.constant 0 : i32
      %ne3A_435 = arith.cmpi ne, %rem3A_433, %ne3A_434 : i32
      %lt3A_436 = arith.constant 0 : i32
      %lt3A_437 = arith.cmpi slt, %rem3A_433, %lt3A_436 : i32
      %lt3A_438 = arith.constant 0 : i32
      %lt3A_439 = arith.cmpi slt, %select_n3A_432, %lt3A_438 : i32
      %ne3A_440 = arith.xori %lt3A_437, %lt3A_439 : i1
      %and3A_441 = arith.andi %ne3A_440, %ne3A_435 : i1
      %add3A_442 = arith.addi %rem3A_433, %select_n3A_432 : i32
      %select_n3A_443 = arith.select %and3A_441, %add3A_442, %rem3A_433 : i32
      %min3A_444 = arith.constant 128 : i32
      %min3A_445 = arith.minsi %select_n3A_443, %min3A_444 : i32
      %lt3A_446 = arith.constant 128 : i32
      %lt3A_447 = arith.cmpi slt, %select_n3A_443, %lt3A_446 : i32
      %gt3A_448 = arith.constant 0 : i32
      %gt3A_449 = arith.cmpi sgt, %add3A_389, %gt3A_448 : i32
      %gt3A_450 = arith.constant 0 : i32
      %gt3A_451 = arith.cmpi sgt, %select_n3A_443, %gt3A_450 : i32
      %or3A_452 = arith.ori %gt3A_449, %gt3A_451 : i1
      %and3A_453 = arith.andi %lt3A_447, %or3A_452 : i1
      %while3A_454 = arith.constant 0 : i32
      %while3A_455 = arith.subi %min3A_445, %while3A_454 : i32
      %while3A_456 = arith.addi %while3A_454, %while3A_455 : i32
      %while3A_457 = arith.constant 1 : i32
      %while3A_458 = arith.divsi %while3A_455, %while3A_457 : i32
      %while3A_459 = arith.muli %while3A_458, %while3A_457 : i32
      %while3A_460 = arith.addi %while3A_454, %while3A_459 : i32
      %while3A_461 = arith.constant 1 : i32
      %while3A_462:4 = scf.for %while3A_491 = %while3A_454 to %while3A_460 step %while3A_461 iter_args(%while3A_492 = %while3A_387#0, %while3A_493 = %while3A_387#1, %while3A_494 = %while3A_387#2, %while3A_495 = %while3A_387#3) -> (vector<16xf32>, vector<16xf32>, vector<16xf32>, vector<16xf32>)  : i32 {
        %get3A = arith.constant 3 : i32
        %get3A_496 = arith.index_cast %get3A : i32 to index
        %get3A_497 = arith.index_cast %while3A_491 : i32 to index
        %get3A_498 = arith.constant 0 : index
        %get3A_499 = tpu.vector_load %arg6[%get3A_496, %get3A_497, %get3A_498] {strides = array<i32>} : memref<4x128x64xf32, #tpu.memory_space<vmem>>, vector<1x1x16xf32>,
        %get3A_500 = vector.shape_cast %get3A_499 : vector<1x1x16xf32> to vector<16xf32>
        %add3A_501 = arith.addf %while3A_492, %get3A_500 : vector<16xf32>
        %get3A_502 = arith.constant 3 : i32
        %get3A_503 = arith.index_cast %get3A_502 : i32 to index
        %get3A_504 = arith.index_cast %while3A_491 : i32 to index
        %get3A_505 = arith.constant 16 : index
        %get3A_506 = tpu.vector_load %arg6[%get3A_503, %get3A_504, %get3A_505] {strides = array<i32>} : memref<4x128x64xf32, #tpu.memory_space<vmem>>, vector<1x1x16xf32>,
        %get3A_507 = vector.shape_cast %get3A_506 : vector<1x1x16xf32> to vector<16xf32>
        %add3A_508 = arith.addf %while3A_493, %get3A_507 : vector<16xf32>
        %get3A_509 = arith.constant 3 : i32
        %get3A_510 = arith.index_cast %get3A_509 : i32 to index
        %get3A_511 = arith.index_cast %while3A_491 : i32 to index
        %get3A_512 = arith.constant 32 : index
        %get3A_513 = tpu.vector_load %arg6[%get3A_510, %get3A_511, %get3A_512] {strides = array<i32>} : memref<4x128x64xf32, #tpu.memory_space<vmem>>, vector<1x1x16xf32>,
        %get3A_514 = vector.shape_cast %get3A_513 : vector<1x1x16xf32> to vector<16xf32>
        %add3A_515 = arith.addf %while3A_494, %get3A_514 : vector<16xf32>
        %get3A_516 = arith.constant 3 : i32
        %get3A_517 = arith.index_cast %get3A_516 : i32 to index
        %get3A_518 = arith.index_cast %while3A_491 : i32 to index
        %get3A_519 = arith.constant 48 : index
        %get3A_520 = tpu.vector_load %arg6[%get3A_517, %get3A_518, %get3A_519] {strides = array<i32>} : memref<4x128x64xf32, #tpu.memory_space<vmem>>, vector<1x1x16xf32>,
        %get3A_521 = vector.shape_cast %get3A_520 : vector<1x1x16xf32> to vector<16xf32>
        %add3A_522 = arith.addf %while3A_495, %get3A_521 : vector<16xf32>
        scf.yield %add3A_501, %add3A_508, %add3A_515, %add3A_522 : vector<16xf32>, vector<16xf32>, vector<16xf32>, vector<16xf32>
      }
      %while3A_463 = arith.constant 1 : i32
      %while3A_464:4 = scf.for %while3A_491 = %while3A_460 to %while3A_456 step %while3A_463 iter_args(%while3A_492 = %while3A_462#0, %while3A_493 = %while3A_462#1, %while3A_494 = %while3A_462#2, %while3A_495 = %while3A_462#3) -> (vector<16xf32>, vector<16xf32>, vector<16xf32>, vector<16xf32>)  : i32 {
        %get3A = arith.constant 3 : i32
        %get3A_496 = arith.index_cast %get3A : i32 to index
        %get3A_497 = arith.index_cast %while3A_491 : i32 to index
        %get3A_498 = arith.constant 0 : index
        %get3A_499 = tpu.vector_load %arg6[%get3A_496, %get3A_497, %get3A_498] {strides = array<i32>} : memref<4x128x64xf32, #tpu.memory_space<vmem>>, vector<1x1x16xf32>,
        %get3A_500 = vector.shape_cast %get3A_499 : vector<1x1x16xf32> to vector<16xf32>
        %add3A_501 = arith.addf %while3A_492, %get3A_500 : vector<16xf32>
        %get3A_502 = arith.constant 3 : i32
        %get3A_503 = arith.index_cast %get3A_502 : i32 to index
        %get3A_504 = arith.index_cast %while3A_491 : i32 to index
        %get3A_505 = arith.constant 16 : index
        %get3A_506 = tpu.vector_load %arg6[%get3A_503, %get3A_504, %get3A_505] {strides = array<i32>} : memref<4x128x64xf32, #tpu.memory_space<vmem>>, vector<1x1x16xf32>,
        %get3A_507 = vector.shape_cast %get3A_506 : vector<1x1x16xf32> to vector<16xf32>
        %add3A_508 = arith.addf %while3A_493, %get3A_507 : vector<16xf32>
        %get3A_509 = arith.constant 3 : i32
        %get3A_510 = arith.index_cast %get3A_509 : i32 to index
        %get3A_511 = arith.index_cast %while3A_491 : i32 to index
        %get3A_512 = arith.constant 32 : index
        %get3A_513 = tpu.vector_load %arg6[%get3A_510, %get3A_511, %get3A_512] {strides = array<i32>} : memref<4x128x64xf32, #tpu.memory_space<vmem>>, vector<1x1x16xf32>,
        %get3A_514 = vector.shape_cast %get3A_513 : vector<1x1x16xf32> to vector<16xf32>
        %add3A_515 = arith.addf %while3A_494, %get3A_514 : vector<16xf32>
        %get3A_516 = arith.constant 3 : i32
        %get3A_517 = arith.index_cast %get3A_516 : i32 to index
        %get3A_518 = arith.index_cast %while3A_491 : i32 to index
        %get3A_519 = arith.constant 48 : index
        %get3A_520 = tpu.vector_load %arg6[%get3A_517, %get3A_518, %get3A_519] {strides = array<i32>} : memref<4x128x64xf32, #tpu.memory_space<vmem>>, vector<1x1x16xf32>,
        %get3A_521 = vector.shape_cast %get3A_520 : vector<1x1x16xf32> to vector<16xf32>
        %add3A_522 = arith.addf %while3A_495, %get3A_521 : vector<16xf32>
        scf.yield %add3A_501, %add3A_508, %add3A_515, %add3A_522 : vector<16xf32>, vector<16xf32>, vector<16xf32>, vector<16xf32>
      }
      %convert_element_type3A_465 = arith.extui %and3A_453 : i1 to i32
      %cond3A_466 = arith.constant 0 : i32
      %cond3A_467 = arith.cmpi ne, %convert_element_type3A_465, %cond3A_466 : i32
      scf.if %cond3A_467 {
        %mul3A_491 = arith.constant 128 : i32
        %mul3A_492 = arith.muli %mul3A_491, %add3A_389 : i32
        %add3A_493 = arith.addi %mul3A_492, %min3A_445 : i32
        %sub3A_494 = arith.constant 1 : i32
        %sub3A_495 = arith.subi %add3A_493, %sub3A_494 : i32
        %jit3A_496 = arith.constant 200 : i32
        %div3A = arith.divsi %sub3A_495, %jit3A_496 : i32
        %sign3A = arith.constant 0 : i32
        %sign3A_497 = arith.cmpi sgt, %sub3A_495, %sign3A : i32
        %sign3A_498 = arith.extui %sign3A_497 : i1 to i32
        %sign3A_499 = arith.constant 0 : i32
        %sign3A_500 = arith.cmpi slt, %sub3A_495, %sign3A_499 : i32
        %sign3A_501 = arith.extui %sign3A_500 : i1 to i32
        %sign3A_502 = arith.subi %sign3A_498, %sign3A_501 : i32
        %sign3A_503 = arith.constant 0 : i32
        %sign3A_504 = arith.cmpi sgt, %jit3A_496, %sign3A_503 : i32
        %sign3A_505 = arith.extui %sign3A_504 : i1 to i32
        %sign3A_506 = arith.constant 0 : i32
        %sign3A_507 = arith.cmpi slt, %jit3A_496, %sign3A_506 : i32
        %sign3A_508 = arith.extui %sign3A_507 : i1 to i32
        %sign3A_509 = arith.subi %sign3A_505, %sign3A_508 : i32
        %ne3A_510 = arith.cmpi ne, %sign3A_502, %sign3A_509 : i32
        %rem3A_511 = arith.remsi %sub3A_495, %jit3A_496 : i32
        %ne3A_512 = arith.constant 0 : i32
        %ne3A_513 = arith.cmpi ne, %rem3A_511, %ne3A_512 : i32
        %and3A_514 = arith.andi %ne3A_510, %ne3A_513 : i1
        %sub3A_515 = arith.constant 1 : i32
        %sub3A_516 = arith.subi %div3A, %sub3A_515 : i32
        %select_n3A_517 = arith.select %and3A_514, %sub3A_516, %div3A : i32
        %mul3A_518 = arith.constant 5.000000e-03 : f32
        %mul3A_519 = vector.broadcast %mul3A_518 : f32 to vector<16xf32>
        %mul3A_520 = arith.mulf %while3A_464#0, %mul3A_519 : vector<16xf32>
        %swap3A_521 = arith.index_cast %select_n3A_517 : i32 to index
        %swap3A_522 = arith.constant 0 : index
        %swap3A_523 = tpu.vector_load %arg7[%swap3A_521, %swap3A_522] {strides = array<i32>} : memref<128x64xf32, #tpu.memory_space<vmem>>, vector<1x16xf32>,
        %swap3A_524 = vector.shape_cast %swap3A_523 : vector<1x16xf32> to vector<16xf32>
        %swap3A_525 = vector.shape_cast %mul3A_520 : vector<16xf32> to vector<1x16xf32>
        tpu.vector_store %arg7[%swap3A_521, %swap3A_522], %swap3A_525 {strides = array<i32>} : memref<128x64xf32, #tpu.memory_space<vmem>>, vector<1x16xf32>,
        %mul3A_526 = arith.constant 5.000000e-03 : f32
        %mul3A_527 = vector.broadcast %mul3A_526 : f32 to vector<16xf32>
        %mul3A_528 = arith.mulf %while3A_464#1, %mul3A_527 : vector<16xf32>
        %swap3A_529 = arith.index_cast %select_n3A_517 : i32 to index
        %swap3A_530 = arith.constant 16 : index
        %swap3A_531 = tpu.vector_load %arg7[%swap3A_529, %swap3A_530] {strides = array<i32>} : memref<128x64xf32, #tpu.memory_space<vmem>>, vector<1x16xf32>,
        %swap3A_532 = vector.shape_cast %swap3A_531 : vector<1x16xf32> to vector<16xf32>
        %swap3A_533 = vector.shape_cast %mul3A_528 : vector<16xf32> to vector<1x16xf32>
        tpu.vector_store %arg7[%swap3A_529, %swap3A_530], %swap3A_533 {strides = array<i32>} : memref<128x64xf32, #tpu.memory_space<vmem>>, vector<1x16xf32>,
        %mul3A_534 = arith.constant 5.000000e-03 : f32
        %mul3A_535 = vector.broadcast %mul3A_534 : f32 to vector<16xf32>
        %mul3A_536 = arith.mulf %while3A_464#2, %mul3A_535 : vector<16xf32>
        %swap3A_537 = arith.index_cast %select_n3A_517 : i32 to index
        %swap3A_538 = arith.constant 32 : index
        %swap3A_539 = tpu.vector_load %arg7[%swap3A_537, %swap3A_538] {strides = array<i32>} : memref<128x64xf32, #tpu.memory_space<vmem>>, vector<1x16xf32>,
        %swap3A_540 = vector.shape_cast %swap3A_539 : vector<1x16xf32> to vector<16xf32>
        %swap3A_541 = vector.shape_cast %mul3A_536 : vector<16xf32> to vector<1x16xf32>
        tpu.vector_store %arg7[%swap3A_537, %swap3A_538], %swap3A_541 {strides = array<i32>} : memref<128x64xf32, #tpu.memory_space<vmem>>, vector<1x16xf32>,
        %mul3A_542 = arith.constant 5.000000e-03 : f32
        %mul3A_543 = vector.broadcast %mul3A_542 : f32 to vector<16xf32>
        %mul3A_544 = arith.mulf %while3A_464#3, %mul3A_543 : vector<16xf32>
        %swap3A_545 = arith.index_cast %select_n3A_517 : i32 to index
        %swap3A_546 = arith.constant 48 : index
        %swap3A_547 = tpu.vector_load %arg7[%swap3A_545, %swap3A_546] {strides = array<i32>} : memref<128x64xf32, #tpu.memory_space<vmem>>, vector<1x16xf32>,
        %swap3A_548 = vector.shape_cast %swap3A_547 : vector<1x16xf32> to vector<16xf32>
        %swap3A_549 = vector.shape_cast %mul3A_544 : vector<16xf32> to vector<1x16xf32>
        tpu.vector_store %arg7[%swap3A_545, %swap3A_546], %swap3A_549 {strides = array<i32>} : memref<128x64xf32, #tpu.memory_space<vmem>>, vector<1x16xf32>,
      } else {
      }
      %broadcast_in_dim3A_468 = arith.constant 0.000000e+00 : f32
      %broadcast_in_dim3A_469 = vector.broadcast %broadcast_in_dim3A_468 : f32 to vector<16xf32>
      %select_n3A_470 = arith.select %and3A_453, %broadcast_in_dim3A_469, %while3A_464#0 : vector<16xf32>
      %broadcast_in_dim3A_471 = arith.constant 0.000000e+00 : f32
      %broadcast_in_dim3A_472 = vector.broadcast %broadcast_in_dim3A_471 : f32 to vector<16xf32>
      %select_n3A_473 = arith.select %and3A_453, %broadcast_in_dim3A_472, %while3A_464#1 : vector<16xf32>
      %broadcast_in_dim3A_474 = arith.constant 0.000000e+00 : f32
      %broadcast_in_dim3A_475 = vector.broadcast %broadcast_in_dim3A_474 : f32 to vector<16xf32>
      %select_n3A_476 = arith.select %and3A_453, %broadcast_in_dim3A_475, %while3A_464#2 : vector<16xf32>
      %broadcast_in_dim3A_477 = arith.constant 0.000000e+00 : f32
      %broadcast_in_dim3A_478 = vector.broadcast %broadcast_in_dim3A_477 : f32 to vector<16xf32>
      %select_n3A_479 = arith.select %and3A_453, %broadcast_in_dim3A_478, %while3A_464#3 : vector<16xf32>
      %while3A_480 = arith.constant 128 : i32
      %while3A_481 = arith.subi %while3A_480, %min3A_445 : i32
      %while3A_482 = arith.addi %min3A_445, %while3A_481 : i32
      %while3A_483 = arith.constant 1 : i32
      %while3A_484 = arith.divsi %while3A_481, %while3A_483 : i32
      %while3A_485 = arith.muli %while3A_484, %while3A_483 : i32
      %while3A_486 = arith.addi %min3A_445, %while3A_485 : i32
      %while3A_487 = arith.constant 1 : i32
      %while3A_488:4 = scf.for %while3A_491 = %min3A_445 to %while3A_486 step %while3A_487 iter_args(%while3A_492 = %select_n3A_470, %while3A_493 = %select_n3A_473, %while3A_494 = %select_n3A_476, %while3A_495 = %select_n3A_479) -> (vector<16xf32>, vector<16xf32>, vector<16xf32>, vector<16xf32>)  : i32 {
        %get3A = arith.constant 3 : i32
        %get3A_496 = arith.index_cast %get3A : i32 to index
        %get3A_497 = arith.index_cast %while3A_491 : i32 to index
        %get3A_498 = arith.constant 0 : index
        %get3A_499 = tpu.vector_load %arg6[%get3A_496, %get3A_497, %get3A_498] {strides = array<i32>} : memref<4x128x64xf32, #tpu.memory_space<vmem>>, vector<1x1x16xf32>,
        %get3A_500 = vector.shape_cast %get3A_499 : vector<1x1x16xf32> to vector<16xf32>
        %add3A_501 = arith.addf %while3A_492, %get3A_500 : vector<16xf32>
        %get3A_502 = arith.constant 3 : i32
        %get3A_503 = arith.index_cast %get3A_502 : i32 to index
        %get3A_504 = arith.index_cast %while3A_491 : i32 to index
        %get3A_505 = arith.constant 16 : index
        %get3A_506 = tpu.vector_load %arg6[%get3A_503, %get3A_504, %get3A_505] {strides = array<i32>} : memref<4x128x64xf32, #tpu.memory_space<vmem>>, vector<1x1x16xf32>,
        %get3A_507 = vector.shape_cast %get3A_506 : vector<1x1x16xf32> to vector<16xf32>
        %add3A_508 = arith.addf %while3A_493, %get3A_507 : vector<16xf32>
        %get3A_509 = arith.constant 3 : i32
        %get3A_510 = arith.index_cast %get3A_509 : i32 to index
        %get3A_511 = arith.index_cast %while3A_491 : i32 to index
        %get3A_512 = arith.constant 32 : index
        %get3A_513 = tpu.vector_load %arg6[%get3A_510, %get3A_511, %get3A_512] {strides = array<i32>} : memref<4x128x64xf32, #tpu.memory_space<vmem>>, vector<1x1x16xf32>,
        %get3A_514 = vector.shape_cast %get3A_513 : vector<1x1x16xf32> to vector<16xf32>
        %add3A_515 = arith.addf %while3A_494, %get3A_514 : vector<16xf32>
        %get3A_516 = arith.constant 3 : i32
        %get3A_517 = arith.index_cast %get3A_516 : i32 to index
        %get3A_518 = arith.index_cast %while3A_491 : i32 to index
        %get3A_519 = arith.constant 48 : index
        %get3A_520 = tpu.vector_load %arg6[%get3A_517, %get3A_518, %get3A_519] {strides = array<i32>} : memref<4x128x64xf32, #tpu.memory_space<vmem>>, vector<1x1x16xf32>,
        %get3A_521 = vector.shape_cast %get3A_520 : vector<1x1x16xf32> to vector<16xf32>
        %add3A_522 = arith.addf %while3A_495, %get3A_521 : vector<16xf32>
        scf.yield %add3A_501, %add3A_508, %add3A_515, %add3A_522 : vector<16xf32>, vector<16xf32>, vector<16xf32>, vector<16xf32>
      }
      %while3A_489 = arith.constant 1 : i32
      %while3A_490:4 = scf.for %while3A_491 = %while3A_486 to %while3A_482 step %while3A_489 iter_args(%while3A_492 = %while3A_488#0, %while3A_493 = %while3A_488#1, %while3A_494 = %while3A_488#2, %while3A_495 = %while3A_488#3) -> (vector<16xf32>, vector<16xf32>, vector<16xf32>, vector<16xf32>)  : i32 {
        %get3A = arith.constant 3 : i32
        %get3A_496 = arith.index_cast %get3A : i32 to index
        %get3A_497 = arith.index_cast %while3A_491 : i32 to index
        %get3A_498 = arith.constant 0 : index
        %get3A_499 = tpu.vector_load %arg6[%get3A_496, %get3A_497, %get3A_498] {strides = array<i32>} : memref<4x128x64xf32, #tpu.memory_space<vmem>>, vector<1x1x16xf32>,
        %get3A_500 = vector.shape_cast %get3A_499 : vector<1x1x16xf32> to vector<16xf32>
        %add3A_501 = arith.addf %while3A_492, %get3A_500 : vector<16xf32>
        %get3A_502 = arith.constant 3 : i32
        %get3A_503 = arith.index_cast %get3A_502 : i32 to index
        %get3A_504 = arith.index_cast %while3A_491 : i32 to index
        %get3A_505 = arith.constant 16 : index
        %get3A_506 = tpu.vector_load %arg6[%get3A_503, %get3A_504, %get3A_505] {strides = array<i32>} : memref<4x128x64xf32, #tpu.memory_space<vmem>>, vector<1x1x16xf32>,
        %get3A_507 = vector.shape_cast %get3A_506 : vector<1x1x16xf32> to vector<16xf32>
        %add3A_508 = arith.addf %while3A_493, %get3A_507 : vector<16xf32>
        %get3A_509 = arith.constant 3 : i32
        %get3A_510 = arith.index_cast %get3A_509 : i32 to index
        %get3A_511 = arith.index_cast %while3A_491 : i32 to index
        %get3A_512 = arith.constant 32 : index
        %get3A_513 = tpu.vector_load %arg6[%get3A_510, %get3A_511, %get3A_512] {strides = array<i32>} : memref<4x128x64xf32, #tpu.memory_space<vmem>>, vector<1x1x16xf32>,
        %get3A_514 = vector.shape_cast %get3A_513 : vector<1x1x16xf32> to vector<16xf32>
        %add3A_515 = arith.addf %while3A_494, %get3A_514 : vector<16xf32>
        %get3A_516 = arith.constant 3 : i32
        %get3A_517 = arith.index_cast %get3A_516 : i32 to index
        %get3A_518 = arith.index_cast %while3A_491 : i32 to index
        %get3A_519 = arith.constant 48 : index
        %get3A_520 = tpu.vector_load %arg6[%get3A_517, %get3A_518, %get3A_519] {strides = array<i32>} : memref<4x128x64xf32, #tpu.memory_space<vmem>>, vector<1x1x16xf32>,
        %get3A_521 = vector.shape_cast %get3A_520 : vector<1x1x16xf32> to vector<16xf32>
        %add3A_522 = arith.addf %while3A_495, %get3A_521 : vector<16xf32>
        scf.yield %add3A_501, %add3A_508, %add3A_515, %add3A_522 : vector<16xf32>, vector<16xf32>, vector<16xf32>, vector<16xf32>
      }
      scf.yield %while3A_490#0, %while3A_490#1, %while3A_490#2, %while3A_490#3 : vector<16xf32>, vector<16xf32>, vector<16xf32>, vector<16xf32>
    }
    %scan3A_49 = arith.constant 50 : i32
    %mul3A_50 = arith.constant 5.000000e-03 : f32
    %mul3A_51 = vector.broadcast %mul3A_50 : f32 to vector<16xf32>
    %mul3A_52 = arith.mulf %scan3A_48#0, %mul3A_51 : vector<16xf32>
    %swap3A = arith.constant 127 : i32
    %swap3A_53 = arith.index_cast %swap3A : i32 to index
    %swap3A_54 = arith.constant 0 : index
    %swap3A_55 = tpu.vector_load %arg7[%swap3A_53, %swap3A_54] {strides = array<i32>} : memref<128x64xf32, #tpu.memory_space<vmem>>, vector<1x16xf32>,
    %swap3A_56 = vector.shape_cast %swap3A_55 : vector<1x16xf32> to vector<16xf32>
    %swap3A_57 = vector.shape_cast %mul3A_52 : vector<16xf32> to vector<1x16xf32>
    tpu.vector_store %arg7[%swap3A_53, %swap3A_54], %swap3A_57 {strides = array<i32>} : memref<128x64xf32, #tpu.memory_space<vmem>>, vector<1x16xf32>,
    %mul3A_58 = arith.constant 5.000000e-03 : f32
    %mul3A_59 = vector.broadcast %mul3A_58 : f32 to vector<16xf32>
    %mul3A_60 = arith.mulf %scan3A_48#1, %mul3A_59 : vector<16xf32>
    %swap3A_61 = arith.constant 127 : i32
    %swap3A_62 = arith.index_cast %swap3A_61 : i32 to index
    %swap3A_63 = arith.constant 16 : index
    %swap3A_64 = tpu.vector_load %arg7[%swap3A_62, %swap3A_63] {strides = array<i32>} : memref<128x64xf32, #tpu.memory_space<vmem>>, vector<1x16xf32>,
    %swap3A_65 = vector.shape_cast %swap3A_64 : vector<1x16xf32> to vector<16xf32>
    %swap3A_66 = vector.shape_cast %mul3A_60 : vector<16xf32> to vector<1x16xf32>
    tpu.vector_store %arg7[%swap3A_62, %swap3A_63], %swap3A_66 {strides = array<i32>} : memref<128x64xf32, #tpu.memory_space<vmem>>, vector<1x16xf32>,
    %mul3A_67 = arith.constant 5.000000e-03 : f32
    %mul3A_68 = vector.broadcast %mul3A_67 : f32 to vector<16xf32>
    %mul3A_69 = arith.mulf %scan3A_48#2, %mul3A_68 : vector<16xf32>
    %swap3A_70 = arith.constant 127 : i32
    %swap3A_71 = arith.index_cast %swap3A_70 : i32 to index
    %swap3A_72 = arith.constant 32 : index
    %swap3A_73 = tpu.vector_load %arg7[%swap3A_71, %swap3A_72] {strides = array<i32>} : memref<128x64xf32, #tpu.memory_space<vmem>>, vector<1x16xf32>,
    %swap3A_74 = vector.shape_cast %swap3A_73 : vector<1x16xf32> to vector<16xf32>
    %swap3A_75 = vector.shape_cast %mul3A_69 : vector<16xf32> to vector<1x16xf32>
    tpu.vector_store %arg7[%swap3A_71, %swap3A_72], %swap3A_75 {strides = array<i32>} : memref<128x64xf32, #tpu.memory_space<vmem>>, vector<1x16xf32>,
    %mul3A_76 = arith.constant 5.000000e-03 : f32
    %mul3A_77 = vector.broadcast %mul3A_76 : f32 to vector<16xf32>
    %mul3A_78 = arith.mulf %scan3A_48#3, %mul3A_77 : vector<16xf32>
    %swap3A_79 = arith.constant 127 : i32
    %swap3A_80 = arith.index_cast %swap3A_79 : i32 to index
    %swap3A_81 = arith.constant 48 : index
    %swap3A_82 = tpu.vector_load %arg7[%swap3A_80, %swap3A_81] {strides = array<i32>} : memref<128x64xf32, #tpu.memory_space<vmem>>, vector<1x16xf32>,
    %swap3A_83 = vector.shape_cast %swap3A_82 : vector<1x16xf32> to vector<16xf32>
    %swap3A_84 = vector.shape_cast %mul3A_78 : vector<16xf32> to vector<1x16xf32>
    tpu.vector_store %arg7[%swap3A_80, %swap3A_81], %swap3A_84 {strides = array<i32>} : memref<128x64xf32, #tpu.memory_space<vmem>>, vector<1x16xf32>,
    %mul3A_85 = arith.constant 128 : i32
    %mul3A_86 = arith.muli %add3A, %mul3A_85 : i32
    "tpu.region"() ({
      %run_scoped3A = tpu.sem_alloc : memref<!tpu.dma_semaphore, #tpu.memory_space<semaphore_mem>>
      %dma_start3A_87 = arith.constant 0 : i32
      %dma_start3A_88 = tpu.memref_slice %arg4[%mul3A_86, %dma_start3A_87] : memref<4096x64xf32, #tpu.memory_space<hbm>> -> memref<128x64xf32, #tpu.memory_space<hbm>>
      %dma_start3A_89 = arith.constant 0 : i32
      %dma_start3A_90 = tpu.memref_slice %arg4[%mul3A_86, %dma_start3A_89] : memref<4096x64xf32, #tpu.memory_space<hbm>> -> memref<128x64xf32, #tpu.memory_space<hbm>>
      tpu.enqueue_dma source(%arg7 : memref<128x64xf32, #tpu.memory_space<vmem>>) target(%dma_start3A_90 : memref<128x64xf32, #tpu.memory_space<hbm>>) target_semaphore(%run_scoped3A : memref<!tpu.dma_semaphore, #tpu.memory_space<semaphore_mem>>)
      %dma_wait3A = arith.constant 0 : i32
      %dma_wait3A_91 = tpu.memref_slice %arg4[%mul3A_86, %dma_wait3A] : memref<4096x64xf32, #tpu.memory_space<hbm>> -> memref<128x64xf32, #tpu.memory_space<hbm>>
      %dma_wait3A_92 = arith.constant 0 : i32
      %dma_wait3A_93 = tpu.memref_slice %arg4[%mul3A_86, %dma_wait3A_92] : memref<4096x64xf32, #tpu.memory_space<hbm>> -> memref<128x64xf32, #tpu.memory_space<hbm>>
      tpu.wait_dma2 semaphore(%run_scoped3A : memref<!tpu.dma_semaphore, #tpu.memory_space<semaphore_mem>>) src(%arg7 : memref<128x64xf32, #tpu.memory_space<vmem>>) dst(%dma_wait3A_93 : memref<128x64xf32, #tpu.memory_space<hbm>>)
      tpu.yield
    }) : () -> ()
    return
  }
}

module attributes {stable_mosaic.version = 14 : i64} {
  func.func @rep(%arg0: i32, %arg1: memref<64x4096xf32, #tpu.memory_space<vmem>>, %arg2: memref<64x4096xf32, #tpu.memory_space<vmem>>, %arg3: memref<4096x128xf32, #tpu.memory_space<vmem>>) attributes {dimension_semantics = [#tpu.dimension_semantics<arbitrary>], iteration_bounds = array<i64: 123>, scalar_prefetch = 0 : i64, scratch_operands = 0 : i64, tpu.core_type = #tpu.core_type<tc>, window_params = [{transform_indices = @transform_0, window_bounds = array<i64: 64, 4096>}, {transform_indices = @transform_1, window_bounds = array<i64: 64, 4096>}, {transform_indices = @transform_2, window_bounds = array<i64: 4096, 128>}]} {
    %get3A = arith.constant 0 : index
    %get3A_0 = arith.constant 0 : index
    %get3A_1 = vector.load %arg1[%get3A, %get3A_0] : memref<64x4096xf32, #tpu.memory_space<vmem>>, vector<64x4096xf32>
    %transpose3A = tpu.transpose %get3A_1, [1, 0] : vector<64x4096xf32> -> vector<4096x64xf32>
    %get3A_2 = arith.constant 0 : index
    %get3A_3 = arith.constant 0 : index
    %get3A_4 = vector.load %arg2[%get3A_2, %get3A_3] : memref<64x4096xf32, #tpu.memory_space<vmem>>, vector<64x4096xf32>
    %transpose3A_5 = tpu.transpose %get3A_4, [1, 0] : vector<64x4096xf32> -> vector<4096x64xf32>
    %concatenate3A = tpu.concatenate %transpose3A, %transpose3A_5 in 1 : vector<4096x64xf32>, vector<4096x64xf32> -> vector<4096x128xf32>
    %swap3A = arith.constant 0 : index
    %swap3A_6 = arith.constant 0 : index
    %swap3A_7 = vector.load %arg3[%swap3A, %swap3A_6] : memref<4096x128xf32, #tpu.memory_space<vmem>>, vector<4096x128xf32>
    tpu.vector_store %arg3[%swap3A, %swap3A_6], %concatenate3A {strides = array<i32>} : memref<4096x128xf32, #tpu.memory_space<vmem>>, vector<4096x128xf32>,
    return
  }
  func.func @transform_0(%arg0: i32) -> (i32, i32) {
    %mul3A = arith.constant 2 : i32
    %mul3A_0 = arith.muli %mul3A, %arg0 : i32
    %c0_i32 = arith.constant 0 : i32
    %c0_i32_1 = arith.constant 0 : i32
    return %c0_i32, %mul3A_0 : i32, i32
  }
  func.func @transform_1(%arg0: i32) -> (i32, i32) {
    %mul3A = arith.constant 2 : i32
    %mul3A_0 = arith.muli %mul3A, %arg0 : i32
    %add3A = arith.constant 1 : i32
    %add3A_1 = arith.addi %mul3A_0, %add3A : i32
    %min3A = arith.constant 244 : i32
    %min3A_2 = arith.minsi %add3A_1, %min3A : i32
    %c0_i32 = arith.constant 0 : i32
    %c0_i32_3 = arith.constant 0 : i32
    return %c0_i32, %min3A_2 : i32, i32
  }
  func.func @transform_2(%arg0: i32) -> (i32, i32) {
    %c0_i32 = arith.constant 0 : i32
    %c0_i32_0 = arith.constant 0 : i32
    return %arg0, %c0_i32 : i32, i32
  }
}

module attributes {stable_mosaic.version = 14 : i64} {
  func.func @mm(%arg0: i32, %arg1: memref<512x64xf32, #tpu.memory_space<vmem>>, %arg2: memref<1000x64xf32, #tpu.memory_space<vmem>>, %arg3: memref<1x1000xf32, #tpu.memory_space<vmem>>, %arg4: memref<512x1000xf32, #tpu.memory_space<vmem>>) attributes {dimension_semantics = [#tpu.dimension_semantics<arbitrary>], iteration_bounds = array<i64: 8>, scalar_prefetch = 0 : i64, scratch_operands = 0 : i64, tpu.core_type = #tpu.core_type<tc>, window_params = [{transform_indices = @transform_0, window_bounds = array<i64: 512, 64>}, {pipeline_mode = #tpu.pipeline_mode<synchronous>, transform_indices = @transform_1, window_bounds = array<i64: 1000, 64>}, {pipeline_mode = #tpu.pipeline_mode<synchronous>, transform_indices = @transform_2, window_bounds = array<i64: 1, 1000>}, {transform_indices = @transform_3, window_bounds = array<i64: 512, 1000>}]} {
    %get3A = arith.constant 0 : index
    %get3A_0 = arith.constant 0 : index
    %get3A_1 = vector.load %arg1[%get3A, %get3A_0] : memref<512x64xf32, #tpu.memory_space<vmem>>, vector<512x64xf32>
    %get3A_2 = arith.constant 0 : index
    %get3A_3 = arith.constant 0 : index
    %get3A_4 = vector.load %arg2[%get3A_2, %get3A_3] : memref<1000x64xf32, #tpu.memory_space<vmem>>, vector<1000x64xf32>
    %dot_general3A = arith.constant dense<0.000000e+00> : vector<512x1000xf32>
    %dot_general3A_5 = tpu.matmul %get3A_1, %get3A_4, %dot_general3A {dimension_numbers = #tpu.dot_dimension_numbers<[1], [1], [0], [0], [0, 0, 1, 0], [], []>, transpose_lhs_hint = false} : vector<512x64xf32>, vector<1000x64xf32>, vector<512x1000xf32> -> vector<512x1000xf32>
    %get3A_6 = arith.constant 0 : index
    %get3A_7 = arith.constant 0 : index
    %get3A_8 = vector.load %arg3[%get3A_6, %get3A_7] : memref<1x1000xf32, #tpu.memory_space<vmem>>, vector<1x1000xf32>
    %add3A = vector.broadcast %get3A_8 : vector<1x1000xf32> to vector<512x1000xf32>
    %add3A_9 = arith.addf %dot_general3A_5, %add3A : vector<512x1000xf32>
    %swap3A = arith.constant 0 : index
    %swap3A_10 = arith.constant 0 : index
    %swap3A_11 = vector.load %arg4[%swap3A, %swap3A_10] : memref<512x1000xf32, #tpu.memory_space<vmem>>, vector<512x1000xf32>
    tpu.vector_store %arg4[%swap3A, %swap3A_10], %add3A_9 {strides = array<i32>} : memref<512x1000xf32, #tpu.memory_space<vmem>>, vector<512x1000xf32>,
    return
  }
  func.func @transform_0(%arg0: i32) -> (i32, i32) {
    %c0_i32 = arith.constant 0 : i32
    %c0_i32_0 = arith.constant 0 : i32
    return %arg0, %c0_i32 : i32, i32
  }
  func.func @transform_1(%arg0: i32) -> (i32, i32) {
    %c0_i32 = arith.constant 0 : i32
    %c0_i32_0 = arith.constant 0 : i32
    %c0_i32_1 = arith.constant 0 : i32
    return %c0_i32, %c0_i32_0 : i32, i32
  }
  func.func @transform_2(%arg0: i32) -> (i32, i32) {
    %c0_i32 = arith.constant 0 : i32
    %c0_i32_0 = arith.constant 0 : i32
    %c0_i32_1 = arith.constant 0 : i32
    return %c0_i32, %c0_i32_0 : i32, i32
  }
  func.func @transform_3(%arg0: i32) -> (i32, i32) {
    %c0_i32 = arith.constant 0 : i32
    %c0_i32_0 = arith.constant 0 : i32
    return %arg0, %c0_i32 : i32, i32
  }
}

</mosaic_0001>

<sc_bundles>
// kernel: kernel.5.cloned.1.call-start
scs
__scs_entry_jumppad:
0x0: {  	(pc) =	sbr.rel $0x88, $3  }
0x1: {  	(tag) =	ssettag $0x0;
	lr =	simm.s32 $0x1  }
0x2: {  	[smem:$0x3F9D] =	sst lr;
	_ =	strace $0xD0000000  }
0x3: {  	_ = 	snop  }
0x4: {  	_ = 	snop  }
0x5: {  	_ = 	snop  }
0x6: {  	_ = 	snop  }
0x7: {  	_ = 	snop  }
__scs_overlays_trampoline_lowered:
0x8: {  	[smem:$0x3FAC] =	sst s0  }
0x9: {  	[smem:$0x3FAD] =	sst s1  }
0xa: {  	[smem:$0x3FAE] =	sst s2  }
0xb: {  	[smem:$0x3FAF] =	sst s3  }
0xc: {  	[smem:$0x3FB0] =	sst s4  }
0xd: {  	[smem:$0x3FB1] =	sst s5  }
0xe: {  	[smem:$0x3FB2] =	sst s6  }
0xf: {  	[smem:$0x3FB3] =	sst s7  }
0x10: {  	[smem:$0x3FB4] =	sst s8  }
0x11: {  	[smem:$0x3FB5] =	sst s9;
	s0 =	simm.s32 @!p0 $0x0  }
0x12: {  	s1 =	sld [smem:$0x3F9B];
	s0 =	simm.s32 @p0 $0x1  }
0x13: {  	[smem:$0x3FB6] =	sst s0;
	s0 =	simm.s32 @!p1 $0x0  }
0x14: {  	s2 =	sld [smem:$0x3F9A];
	s0 =	simm.s32 @p1 $0x1  }
0x15: {  	[smem:$0x3FB7] =	sst s0;
	s0 =	simm.s32 @!p2 $0x0  }
0x16: {  	s3 =	sld [smem:$0x3FDB];
	s0 =	simm.s32 @p2 $0x1  }
0x17: {  	s4 =	simm.s32 $0x1BF5;
	[smem:$0x3FB9] =	sst s0  }
0x18: {  	s0 =	sld [smem:$0x3F9C];
	_ =	swait.ge [sflag:s4], $0x0  }
0x19: {  	s7 =	sld [smem:$0x3F9D]  }
0x1a: {  	s8 =	sadd.s32 $0xFFFFE003, lr  }
0x1b: {  	s9 =	sadd.s32 $0xFFFFFEF7, lr;
	s5 =	simm.s32 $0xFFFFFFFF;
	p2 =	slt.u32 s8, $0xFFFFF086  }
0x1c: {  	p1 =	slt.u32 s9, $0xF7A;
	s5 =	simm.s32 @!p2 $0x0  }
0x1d: {  	s5 =	simm.s32 @p1 $0x1;
	p0 =	seq.s32 s7, s2  }
0x1e: {  	s7 =	smul.u32 @!p0 $0xF7A, s2;
	p2 =	seq.s32 @!p0 s5, $0x0  }
0x1f: {  	s9 =	smul.u32 $0xF7A, s1;
	s8 =	simm.s32 @!p0 $0x1BF5;
	p2 =	por !p2, p0  }
0x20: {  	[sflag:s8] =	ssyncset.s32 @!p0 $0xFFFFF086;
	s6 =	sadd.s32 @!p0 s3, s7;
	s7 =	simm.s32 @!p0 $0x108  }
0x21: {  	s3 =	sadd.s32 s3, s9;
	s6 =	sadd.s32 @!p0 $0x88, s6;
	s7 =	simm.s32 @p2 $0x1082  }
0x22: {  	[simem:s7], [sflag:s8] =	dma.local @!p0 [hbm:s6], $0xF7A  }
0x23: {  	s9 =	sor.u32 $0xD0000000, s2;
	s6 =	simm.s32 $0x108;
	_ =	swait.ge @!p0 [sflag:s8], $0x0  }
0x24: {  	s3 =	sadd.s32 $0x88, s3;
	s6 =	simm.s32 @!p1 $0x1082;
	[sflag:s4] =	ssyncset.s32 $0xFFFFF086  }
0x25: {  	[simem:s6], [sflag:s4] =	dma.local [hbm:s3], $0xF7A  }
0x26: {  	[smem:$0x3F9D] =	sst s1;
	(tag) =	ssettag s2;
	_ =	strace s9  }
0x27: {  	s1 =	sld [smem:$0x3FAD]  }
0x28: {  	s2 =	sld [smem:$0x3FAE]  }
0x29: {  	s4 =	sld [smem:$0x3FB0]  }
0x2a: {  	p0 =	seq.s32 s5, $0x0;
	s5 =	sld [smem:$0x3FB1]  }
0x2b: {  	s6 =	sld [smem:$0x3FB2]  }
0x2c: {  	s7 =	sld [smem:$0x3FB3]  }
0x2d: {  	s3 =	simm.s32 $0x108;
	s8 =	sld [smem:$0x3FB4]  }
0x2e: {  	s3 =	simm.s32 @!p0 $0x1082;
	s9 =	sld [smem:$0x3FB5]  }
0x2f: {  	lr =	sadd.s32 s0, s3;
	s0 =	sld [smem:$0x3FAC]  }
0x30: {  	s3 =	sld [smem:$0x3FAF]  }
0x31: {  	[smem:$0x3FB8] =	sst s10  }
0x32: {  	s10 =	sld [smem:$0x3FB6];
	_ =	sdelay $0x3  }
0x33: {  	p0 =	seq.s32 s10, $0x1;
	s10 =	sld [smem:$0x3FB8];
	_ =	sdelay $0x3  }
0x34: {  	[smem:$0x3FB8] =	sst s10  }
0x35: {  	s10 =	sld [smem:$0x3FB7];
	_ =	sdelay $0x3  }
0x36: {  	p1 =	seq.s32 s10, $0x1;
	s10 =	sld [smem:$0x3FB8];
	_ =	sdelay $0x3  }
0x37: {  	[smem:$0x3FB8] =	sst s10  }
0x38: {  	s10 =	sld [smem:$0x3FB9]  }
0x39: {  	_ = 	snop;
	(pc) =	sbr.ind lr, $3  }
0x3a: {  	_ = 	snop  }
0x3b: {  	_ = 	snop  }
0x3c: {  	p2 =	seq.s32 s10, $0x1;
	s10 =	sld [smem:$0x3FB8]  }
0x3d: {  	_ =	shalt  }
0x3e: {  	_ =	shalt  }
0x3f: {  	_ =	shalt  }
0x40: {  	_ =	shalt  }
0x41: {  	_ =	shalt  }
0x42: {  	_ =	shalt  }
0x43: {  	_ =	shalt  }
0x44: {  	_ =	shalt  }
0x45: {  	_ =	shalt  }
0x46: {  	_ =	shalt  }
0x47: {  	_ =	shalt  }
0x48: {  	_ =	shalt  }
0x49: {  	_ =	shalt  }
0x4a: {  	_ =	shalt  }
0x4b: {  	_ =	shalt  }
0x4c: {  	_ =	shalt  }
0x4d: {  	_ =	shalt  }
0x4e: {  	_ =	shalt  }
0x4f: {  	_ =	shalt  }
0x50: {  	_ =	shalt  }
0x51: {  	_ =	shalt  }
0x52: {  	_ =	shalt  }
0x53: {  	_ =	shalt  }
0x54: {  	_ =	shalt  }
0x55: {  	_ =	shalt  }
0x56: {  	_ =	shalt  }
0x57: {  	_ =	shalt  }
0x58: {  	_ =	shalt  }
0x59: {  	_ =	shalt  }
0x5a: {  	_ =	shalt  }
0x5b: {  	_ =	shalt  }
0x5c: {  	_ =	shalt  }
0x5d: {  	_ =	shalt  }
0x5e: {  	_ =	shalt  }
0x5f: {  	_ =	shalt  }
0x60: {  	_ =	shalt  }
0x61: {  	_ =	shalt  }
0x62: {  	_ =	shalt  }
0x63: {  	_ =	shalt  }
0x64: {  	_ =	shalt  }
0x65: {  	_ =	shalt  }
0x66: {  	_ =	shalt  }
0x67: {  	_ =	shalt  }
0x68: {  	_ =	shalt  }
0x69: {  	_ =	shalt  }
0x6a: {  	_ =	shalt  }
0x6b: {  	_ =	shalt  }
0x6c: {  	_ =	shalt  }
0x6d: {  	_ =	shalt  }
0x6e: {  	_ =	shalt  }
0x6f: {  	_ =	shalt  }
0x70: {  	_ =	shalt  }
0x71: {  	_ =	shalt  }
0x72: {  	_ =	shalt  }
0x73: {  	_ =	shalt  }
0x74: {  	_ =	shalt  }
0x75: {  	_ =	shalt  }
0x76: {  	_ =	shalt  }
0x77: {  	_ =	shalt  }
0x78: {  	_ =	shalt  }
0x79: {  	_ =	shalt  }
0x7a: {  	_ =	shalt  }
0x7b: {  	_ =	shalt  }
0x7c: {  	_ =	shalt  }
0x7d: {  	_ =	shalt  }
0x7e: {  	_ =	shalt  }
0x7f: {  	_ =	shalt  }
0x80: {  	_ =	shalt  }
0x81: {  	_ =	shalt  }
0x82: {  	_ =	shalt  }
0x83: {  	_ =	shalt  }
0x84: {  	_ =	shalt  }
0x85: {  	_ =	shalt  }
0x86: {  	_ =	shalt  }
0x87: {  	_ =	shalt  }
.Lfunc_end0:
.L_simem_size_0:
called_computation_lowered:
.L_overlay_start_0:
0x88: {  	s2 =	sld [smem:$0x3FD9]  }
0x89: {  	s3 =	sld [smem:$0x3FFE];
	_ =	sdelay $0x1  }
0x8a: {  	s1 =	srdreg.scid  }
0x8b: {  	s0 =	sand.u32 $0x1, s1  }
0x8c: {  	s17 =	sshll.u32 s0, $0xA;
	s2 =	sadd.s32 s3, s2  }
0x8d: {  	s2 =	sadd.s32 s2, s17  }
0x8e: {  	[smem:$0x3FC4] =	sst s2  }
0x8f: {  	_ = 	snop  }
0x90: {  	s2 =	sld [smem:$0x3FD0];
	(tm) =	ssettm $0x1  }
0x91: {  	s18 =	sld [smem:$0x3FFB];
	_ =	sdelay $0x3  }
0x92: {  	_ =	strace s18  }
0x93: {  	s3 =	sld [smem:$0x3FFC];
	_ =	sdelay $0x3  }
0x94: {  	_ =	strace s3  }
0x95: {  	s3 =	sld [smem:$0x3FFD];
	_ =	sdelay $0x3  }
0x96: {  	_ =	strace s3  }
0x97: {  	_ =	strace $0x8FFFFFFF  }
0x98: {  	s19 =	sld [smem:$0x3FDB];
	_ =	sdelay $0x1  }
0x99: {  	s4 =	simm.s32 $_scs_section_size  }
0x9a: {  	s5 =	simm.s32 $_size__tile_overlayer_lowered;
	s6 =	simm.s32 $_tile_overlayer_lowered  }
0x9b: {  	s22 =	simm.s32 $0x1BFF;
	s21 =	sshll.u32 s6, $0x1;
	s3 =	sadd.s32 s4, s19  }
0x9c: {  	s7 =	simm.s32 $0x0;
	s20 =	sshll.u32 s5, $0x1;
	s5 =	sadd.s32 s21, s3  }
0x9d: {  	[timem:s7], [sflag:s22] =	dma.local [hbm:s5], s20  }
0x9e: {  	_ =	swait.ge [sflag:s22], s20  }
0x9f: {  	s4 =	ssub.s32 $0x0, s20;
	[sflag:s22] =	ssyncset.done $0x0  }
0xa0: {  	[sflag:s22] =	ssyncadd.s32 s4;
	_ =	sdelay $0x1  }
0xa1: {  	s23 =	simm.s32 $0x1B8B  }
0xa2: {  	_ =	swait.ge [sflag:s23], $0x1  }
0xa3: {  	[sflag:s23] =	ssyncset.done $0x0  }
0xa4: {  	s25 =	simm.s32 $0x1B8E;
	s24 =	sld [smem:$0x3FFE];
	[sflag:s23] =	ssyncadd.s32 $0xFFFFFFFF  }
0xa5: {  	s26 =	simm.s32 $execute0_lowered;
	[smem:$0x3FD2] =	sst s25  }
0xa6: {  	s5 =	sshll.u32 s26, $0x1;
	_ =	strace $0x80000046;
	[dreg:$0x1] =	wrdreg $0xFFFFFFFF  }
0xa7: {  	s28 =	simm.s32 $_size_execute0_lowered;
	s3 =	sadd.s32 s3, s5;
	[dreg:$0x0] =	wrdreg $0x0  }
0xa8: {  	s5 =	sshll.u32 s28, $0x1;
	[dreg:$0x2] =	wrdreg s3  }
0xa9: {  	[dreg:$0x3] =	wrdreg s5  }
0xaa: {  	[dreg:$0x4] =	wrdreg $0xC0  }
0xab: {  	_ =	task [dreg:s7], $0x5FFFF  }
0xac: {  	[dreg:$0x1] =	wrdreg $0xFFFFFFFF  }
0xad: {  	[dreg:$0x0] =	wrdreg $0x60  }
0xae: {  	[dreg:$0x2] =	wrdreg s24  }
0xaf: {  	[dreg:$0x3] =	wrdreg s2  }
0xb0: {  	[dreg:$0x4] =	wrdreg $0x9  }
0xb1: {  	_ =	task.clear_ibuf [dreg:s7], $0x5FFFF;
	_ =	strace $0x90000046  }
0xb2: {  	s29 =	simm.s32 $0x9;
	_ =	strace $0x80000048  }
0xb3: {  	_ =	swait.ge [sflag:s29], $0x1  }
0xb4: {  	[sflag:s29] =	ssyncadd.s32 $0xFFFFFFFF  }
0xb5: {  	_ =	strace $0x90000048  }
0xb6: {  	_ =	sfence  }
0xb7: {  	s30 =	sld [smem:$0x0];
	_ =	sdelay $0x2  }
0xb8: {  	s31 =	sshll.u32 s1, $0xD;
	s1 =	sshrl.u32 s1, $0x2  }
0xb9: {  	s3 =	sand.u32 $0x4000, s31;
	s1 =	sadd.s32 s1, s30  }
0xba: {  	s0 =	sor.u32 s3, s0;
	s1 =	sshll.u32 s1, $0x11  }
0xbb: {  	s0 =	sor.u32 s1, s0  }
0xbc: {  	s0 =	sadd.s32 $0x8F2B, s0  }
0xbd: {  	[sflag:s0] =	ssyncadd.remote.s32 $0x1  }
0xbe: {  	_ =	sfence.sel $0xFFFF  }
0xbf: {  	[dreg:$0x0] =	wrdreg $0xFFFFFFFF;
	(pc) =	sbr.abs _section_cstart, $3  }
0xc0: {  	[dreg:$0x1] =	wrdreg $0xFFFFFFFF  }
0xc1: {  	_ =	task.clear_ibuf [dreg:s7], $0x2FFFF;
	_ =	strace $0x9FFFFFFF  }
0xc2: {  	(tm) =	ssettm $0x7FFFFFFF  }
0xc3: {  	_ =	shalt  }
tec
execute0_lowered:
.L_overlay_start_1:
0x0: {  	(tag) =	ssettag $0x1  }
0x1: {  	s4 =	rddreg [dreg:$0x0]  }
0x2: {  	s5 =	rddreg [dreg:$0x1]  }
0x3: {  	s0 =	rddreg [dreg:$0x2]  }
0x4: {  	s3 =	srdreg.scid;
	s1 =	stileid.u32  }
0x5: {  	s2 =	simm.s32 $0x0;
	s10 =	simm.s32 $0x8400;
	s11 =	simm.s32 $0x100  }
0x6: {  	s12 =	simm.s32 $0xA400;
	s13 =	simm.s32 $0xC400;
	s14 =	simm.s32 $0x1  }
0x7: {  	s15 =	simm.s32 $0x2;
	s16 =	simm.s32 $0x3;
	s17 =	simm.s32 $0x4  }
0x8: {  	s18 =	simm.s32 $0xE400;
	s3 =	sand.u32 $0x1, s3;
	s6 =	sshll.u32 s1, $0x1  }
0x9: {  	s19 =	simm.s32 $0x0;
	[smem:$0x7FF] =	sst s2;
	s6 =	sor.u32 s3, s6  }
.Ltmp0:
0xa: {  	_ =	strace $0x80000047;
	s7 =	ssub.s32 $0x2, s3;
	(pc) =	sbr.rel .LBB2_1-.Ltmp0, $4  }
0xb: {  	s8 =	smul.u32 $0xC80, s6;
	s6 =	sshll.u32 s6, $0xA;
	s9 =	sshrl.u32 s7, $0x1  }
0xc: {  	s3 =	sadd.s32 $0x800, s4;
	s6 =	sadd.s32 s6, s4;
	s7 =	ssub.s32 s7, s9  }
0xd: {  	s9 =	simm.s32 $0x6400;
	s4 =	sadd.s32 s5, s8;
	s5 =	sadd.s32 $0x7B0800, s6  }
0xe: {  	s6 =	smax.u32 s7, $0x1;
	s7 =	simm.s32 $0x5;
	s8 =	simm.s32 $0x80  }
.LBB2_34:
0xf: {  	v3 =	vmul.f32 $4.999999890e-03, v3  }
0x10: {  	v2 =	vmul.f32 $4.999999890e-03, v2  }
0x11: {  	v1 =	vmul.f32 $4.999999890e-03, v1;
	[tilespmem:$0x103C0] =	vst v3  }
0x12: {  	s19 =	sadd.s32 $0x1, s19;
	v0 =	vmul.f32 $4.999999890e-03, v0;
	[tilespmem:$0x103D0] =	vst v2  }
0x13: {  	p0 =	sne.s32 s19, s6;
	[tilespmem:$0x103E0] =	vst v1  }
.Ltmp1:
0x14: {  	[tilespmem:$0x103F0] =	vst v0;
	(pc) =	sbr.rel @!p0 .LBB2_35-.Ltmp1, $4  }
0x15: {  	[hbm4b:s5+s2] =	stream.linear.scatter [tilespmem:s18], [sflag:$0x5], $0x2000, $0x38;
	[tilespmem:$0x10400] =	vst v63  }
0x16: {  	_ =	swait.ge [sflag:s7], $0x2000  }
0x17: {  	[sflag:s7] =	ssyncset.done $0x0  }
0x18: {  	[sflag:s7] =	ssyncadd.s32 $0xFFFFE000  }
.LBB2_1:
0x19: {  	[tilespmem:s2], [sflag:$0x5] =	stream.linear.gather [hbm4b:s4+s2], $0x6400, $0x38;
	[tilespmem:$0x10400] =	vst v63  }
0x1a: {  	_ =	swait.ge [sflag:s7], $0x6400  }
0x1b: {  	[sflag:s7] =	ssyncset.done $0x0  }
0x1c: {  	[sflag:s7] =	ssyncadd.s32 $0xFFFF9C00  }
0x1d: {  	[tilespmem:s9], [sflag:$0x1] =	stream.indirect.gather [hbm4b:s3+s8], $0x40, s2, s8, $0xb8;
	[tilespmem:$0x10400] =	vst v63  }
.Ltmp2:
0x1e: {  	_ = 	snop;
	(pc) =	sbr.rel .LBB2_2-.Ltmp2, $4  }
0x1f: {  	_ = 	snop  }
0x20: {  	[tilespmem:s10], [sflag:$0x2] =	stream.indirect.gather [hbm4b:s3+s8], $0x40, s8, s8, $0xb8;
	[tilespmem:$0x10400] =	vst v63  }
0x21: {  	v0 =	vimm.f32 $0.0e+00;
	s20 =	simm.s32 $0x0  }
0x22: {  	v1 =	vimm.f32 $0.0e+00;
	v2 =	vimm.f32 $0.0e+00;
	v3 =	vimm.f32 $0.0e+00;
	[tilespmem:s12], [sflag:$0x3] =	stream.indirect.gather [hbm4b:s3+s8], $0x40, s11, s8, $0xb8;
	[tilespmem:$0x10400] =	vst v63  }
.LBB2_32:
0x23: {  	v3 =	vadd.f32 v2, v3;
	v2 =	vadd.f32 v4, v6  }
0x24: {  	v0 =	vadd.f32 v1, v0;
	v1 =	vadd.f32 v5, v7  }
.LBB2_33:
0x25: {  	s20 =	sadd.s32 $0x1, s20  }
0x26: {  	p0 =	sne.s32 s20, $0x32  }
.Ltmp3:
0x27: {  	_ = 	snop;
	(pc) =	sbr.rel @!p0 .LBB2_34-.Ltmp3, $1  }
0x28: {  	_ =	sdelay $0x3  }
.LBB2_2:
0x29: {  	s21 =	sshllo.u32 s20, $0x2;
	s22 =	sshll.u32 s20, $0x6  }
0x2a: {  	s21 =	sshll.u32 s21, $0x7;
	s22 =	sand.u32 $0x1FC0, s22  }
0x2b: {  	s23 =	sand.u32 $0x3FFFFF80, s21;
	s22 =	smul.u32 $0x147B, s22  }
0x2c: {  	[tilespmem:s13], [sflag:$0x4] =	stream.indirect.gather [hbm4b:s3+s8], $0x40, s23, s8, $0xb8;
	[tilespmem:$0x10400] =	vst v63  }
0x2d: {  	s22 =	sshrl.u32 s22, $0x11  }
0x2e: {  	s31 =	smul.u32 $0xC8, s22  }
0x2f: {  	s22 =	sshll.u32 s20, $0x9  }
0x30: {  	s23 =	ssub.s32 s22, s31  }
0x31: {  	s25 =	sand.u32 $0xFFF8, s23  }
0x32: {  	s24 =	ssub.s32 $0xC8, s23;
	p0 =	seq.s32 s25, $0x0  }
0x33: {  	s24 =	simm.s32 @p0 $0x0  }
0x34: {  	s25 =	sand.u32 $0xFFF8, s24  }
0x35: {  	p0 =	seq.s32 s25, $0x0  }
.Ltmp4:
0x36: {  	_ = 	snop;
	(pc) =	sbr.rel @p0 .LBB2_6-.Ltmp4, $4  }
0x37: {  	_ = 	snop  }
0x38: {  	_ =	swait.ge [sflag:s14], $0x2000  }
0x39: {  	[sflag:s14] =	ssyncset.done $0x0  }
0x3a: {  	s28 =	simm.s32 $0x6420;
	[sflag:s14] =	ssyncadd.s32 $0xFFFFE000;
	s23 =	smin.u32 s25, $0x80  }
0x3b: {  	v7 =	vld [tilespmem:s28+$0x10];
	p0 =	sne.s32 s23, $0x1  }
.Ltmp5:
0x3c: {  	v4 =	vld [tilespmem:s28+$0xFFFFFFF0];
	(pc) =	sbr.rel @!p0 .LBB2_5-.Ltmp5, $3  }
0x3d: {  	v5 =	vld [tilespmem:s28+$0x0]  }
0x3e: {  	v6 =	vld [tilespmem:s28+$0xFFFFFFE0];
	_ =	sdelay $0x1  }
0x3f: {  	s26 =	sadd.s32 $0xFFFFFFFF, s23;
	s28 =	sadd.s32 $0x40, s28;
	v0 =	vadd.f32 v7, v0  }
.LBB2_4:
0x40: {  	v7 =	vld [tilespmem:s28+$0x10];
	p0 =	sne.s32 s26, $0x1;
	s26 =	sadd.s32 $0xFFFFFFFF, s26;
	v2 =	vadd.f32 v4, v2  }
.Ltmp6:
0x41: {  	v4 =	vld [tilespmem:s28+$0xFFFFFFF0];
	v1 =	vadd.f32 v5, v1;
	(pc) =	sbr.rel @p0 .LBB2_4-.Ltmp6, $3  }
0x42: {  	v5 =	vld [tilespmem:s28+$0x0];
	v3 =	vadd.f32 v6, v3  }
0x43: {  	v6 =	vld [tilespmem:s28+$0xFFFFFFE0];
	_ =	sdelay $0x1  }
0x44: {  	s28 =	sadd.s32 $0x40, s28;
	v0 =	vadd.f32 v7, v0  }
.LBB2_5:
0x45: {  	_ = 	snop  }
0x46: {  	v2 =	vadd.f32 v4, v2  }
0x47: {  	v1 =	vadd.f32 v5, v1;
	v3 =	vadd.f32 v6, v3  }
.LBB2_6:
0x48: {  	s26 =	sor.u32 s25, s20  }
0x49: {  	p0 =	slt.u32 s25, $0x80;
	p1 =	sne.s32 s26, $0x0  }
0x4a: {  	p0 =	por !p0, !p1  }
0x4b: {  	p0 =	por !p0, !p0  }
.Ltmp7:
0x4c: {  	_ = 	snop;
	(pc) =	sbr.rel @!p0 .LBB2_8-.Ltmp7, $1  }
0x4d: {  	_ =	sdelay $0x3  }
0x4e: {  	s24 =	sor.u32 s22, s23  }
0x4f: {  	s25 =	sadd.s32 $0xFFFFFFFF, s24  }
0x50: {  	s26 =	smulhi.u32 $0x51EB851F, s25;
	s25 =	sshra.s32 s25, $0x1F  }
0x51: {  	s25 =	smul.u32 $0x51EB851F, s25;
	_ =	sdelay $0x1  }
0x52: {  	p0 =	seq.s32 s24, $0x0;
	s25 =	sadd.s32 s25, s26  }
0x53: {  	s24 =	simm.s32 $0x1;
	s26 =	sshrl.u32 s25, $0x1F;
	s25 =	sshrl.u32 s25, $0x6  }
0x54: {  	s24 =	simm.s32 @!p0 $0x0;
	s25 =	sadd.s32 s26, s25  }
0x55: {  	s24 =	ssub.s32 s25, s24  }
0x56: {  	v3 =	vmul.f32 $4.999999890e-03, v3;
	s24 =	sshll.u32 s24, $0x8  }
.Ltmp8:
0x57: {  	v2 =	vmul.f32 $4.999999890e-03, v2;
	s24 =	sshra.s32 s24, $0x2;
	(pc) =	sbr.rel .LBB2_9-.Ltmp8, $4  }
0x58: {  	v1 =	vmul.f32 $4.999999890e-03, v1;
	[tilespmem:s24+$0xE400] =	vst v3  }
0x59: {  	[tilespmem:s24+$0xE410] =	vst v2;
	v2 =	vmul.f32 $4.999999890e-03, v0  }
0x5a: {  	[tilespmem:s24+$0xE420] =	vst v1;
	v0 =	vimm.f32 $0.0e+00  }
0x5b: {  	v1 =	vimm.f32 $0.0e+00;
	v3 =	vimm.f32 $0.0e+00;
	[tilespmem:s24+$0xE430] =	vst v2;
	v2 =	vimm.f32 $0.0e+00  }
.LBB2_8:
0x5c: {  	s24 =	sand.u32 $0xFFFF, s24  }
0x5d: {  	p0 =	sgt.u32 s24, $0x7F  }
.Ltmp9:
0x5e: {  	_ = 	snop;
	(pc) =	sbr.rel @p0 .LBB2_12-.Ltmp9, $1  }
0x5f: {  	_ =	sdelay $0x3  }
.LBB2_9:
0x60: {  	s23 =	sshll.u32 s23, $0x8  }
0x61: {  	p0 =	sne.s32 s23, $0x7F00  }
.Ltmp10:
0x62: {  	s24 =	sshra.s32 s23, $0x2;
	(pc) =	sbr.rel @!p0 .LBB2_11-.Ltmp10, $4  }
0x63: {  	v4 =	vld [tilespmem:s24+$0x6430]  }
0x64: {  	v5 =	vld [tilespmem:s24+$0x6400]  }
0x65: {  	v6 =	vld [tilespmem:s24+$0x6410]  }
0x66: {  	s23 =	sadd.s32 $0x100, s23;
	v7 =	vld [tilespmem:s24+$0x6420]  }
.LBB2_10:
0x67: {  	p0 =	sne.s32 s23, $0x7F00  }
.Ltmp11:
0x68: {  	s24 =	sshra.s32 s23, $0x2;
	s23 =	sadd.s32 $0x100, s23;
	v0 =	vadd.f32 v4, v0;
	(pc) =	sbr.rel @p0 .LBB2_10-.Ltmp11, $4  }
0x69: {  	v4 =	vld [tilespmem:s24+$0x6430];
	v3 =	vadd.f32 v5, v3  }
0x6a: {  	v5 =	vld [tilespmem:s24+$0x6400];
	v2 =	vadd.f32 v6, v2  }
0x6b: {  	v6 =	vld [tilespmem:s24+$0x6410];
	v1 =	vadd.f32 v7, v1  }
0x6c: {  	v7 =	vld [tilespmem:s24+$0x6420]  }
.LBB2_11:
0x6d: {  	_ =	sdelay $0x2  }
0x6e: {  	v0 =	vadd.f32 v4, v0;
	v2 =	vadd.f32 v6, v2  }
0x6f: {  	v3 =	vadd.f32 v5, v3;
	v1 =	vadd.f32 v7, v1  }
.LBB2_12:
0x70: {  	s24 =	sor.u32 $0x80, s22  }
0x71: {  	s25 =	smulhi.u32 $0x51EB851F, s24;
	_ =	sdelay $0x1  }
0x72: {  	s25 =	sshrl.u32 s25, $0x6  }
0x73: {  	s25 =	smul.u32 $0xC8, s25;
	_ =	sdelay $0x1  }
0x74: {  	s24 =	ssub.s32 s24, s25  }
0x75: {  	p0 =	seq.s32 s20, $0x31;
	s25 =	ssub.s32 $0xC8, s24;
	p1 =	seq.s32 s24, $0x0  }
0x76: {  	s23 =	sshll.u32 @!p0 s20, $0x9;
	s25 =	simm.s32 @p1 $0x0  }
0x77: {  	s28 =	simm.s32 @!p0 $0x80;
	s23 =	sand.u32 @!p0 $0x3FFFFE00, s23;
	p1 =	seq.s32 s25, $0x0  }
.Ltmp12:
0x78: {  	s29 =	simm.s32 @!p0 $0x6400;
	s26 =	sadd.s32 @!p0 $0x200, s23;
	(pc) =	sbr.rel @p1 .LBB2_16-.Ltmp12, $4  }
0x79: {  	[tilespmem:s29], [sflag:$0x1] =	stream.indirect.gather @!p0 [hbm4b:s3+s28], $0x40, s26, s28, $0xb8;
	[tilespmem:$0x10400] =	vst v63  }
0x7a: {  	_ =	swait.ge [sflag:s15], $0x2000  }
0x7b: {  	[sflag:s15] =	ssyncset.done $0x0  }
0x7c: {  	s28 =	simm.s32 $0x8430;
	[sflag:s15] =	ssyncadd.s32 $0xFFFFE000;
	s24 =	smin.u32 s25, $0x80  }
0x7d: {  	v7 =	vld [tilespmem:s28+$0x0];
	p1 =	sne.s32 s24, $0x1  }
.Ltmp13:
0x7e: {  	v4 =	vld [tilespmem:s28+$0xFFFFFFE0];
	(pc) =	sbr.rel @!p1 .LBB2_15-.Ltmp13, $3  }
0x7f: {  	v5 =	vld [tilespmem:s28+$0xFFFFFFF0]  }
0x80: {  	v6 =	vld [tilespmem:s28+$0xFFFFFFD0];
	_ =	sdelay $0x1  }
0x81: {  	s26 =	sadd.s32 $0xFFFFFFFF, s24;
	s28 =	sadd.s32 $0x40, s28;
	v0 =	vadd.f32 v7, v0  }
.LBB2_14:
0x82: {  	v7 =	vld [tilespmem:s28+$0x0];
	p1 =	sne.s32 s26, $0x1;
	s26 =	sadd.s32 $0xFFFFFFFF, s26;
	v2 =	vadd.f32 v4, v2  }
.Ltmp14:
0x83: {  	v4 =	vld [tilespmem:s28+$0xFFFFFFE0];
	v1 =	vadd.f32 v5, v1;
	(pc) =	sbr.rel @p1 .LBB2_14-.Ltmp14, $3  }
0x84: {  	v5 =	vld [tilespmem:s28+$0xFFFFFFF0];
	v3 =	vadd.f32 v6, v3  }
0x85: {  	v6 =	vld [tilespmem:s28+$0xFFFFFFD0];
	_ =	sdelay $0x1  }
0x86: {  	s28 =	sadd.s32 $0x40, s28;
	v0 =	vadd.f32 v7, v0  }
.LBB2_15:
0x87: {  	p1 =	sgt.u32 s25, $0x7F  }
.Ltmp15:
0x88: {  	_ = 	snop;
	(pc) =	sbr.rel @p1 .LBB2_19-.Ltmp15, $3  }
0x89: {  	_ =	sdelay $0x1  }
0x8a: {  	v2 =	vadd.f32 v4, v2  }
0x8b: {  	v1 =	vadd.f32 v5, v1;
	v3 =	vadd.f32 v6, v3  }
.LBB2_16:
0x8c: {  	s25 =	sadd.s32 s22, s24  }
0x8d: {  	s25 =	sadd.s32 $0x7F, s25  }
0x8e: {  	s25 =	smulhi.u32 $0x51EB851F, s25  }
0x8f: {  	v3 =	vmul.f32 $4.999999890e-03, v3  }
0x90: {  	v2 =	vmul.f32 $4.999999890e-03, v2;
	s25 =	sand.u32 $0x3FFFFFC0, s25  }
0x91: {  	v1 =	vmul.f32 $4.999999890e-03, v1;
	[tilespmem:s25+$0xE400] =	vst v3  }
0x92: {  	v0 =	vmul.f32 $4.999999890e-03, v0;
	s30 =	sshll.u32 s24, $0x8;
	[tilespmem:s25+$0xE410] =	vst v2  }
0x93: {  	p1 =	sne.s32 s30, $0x7F00;
	[tilespmem:s25+$0xE420] =	vst v1  }
.Ltmp16:
0x94: {  	s31 =	sshra.s32 s30, $0x2;
	[tilespmem:s25+$0xE430] =	vst v0;
	(pc) =	sbr.rel @!p1 .LBB2_18-.Ltmp16, $4  }
0x95: {  	v1 =	vld [tilespmem:s31+$0x8430]  }
0x96: {  	v2 =	vld [tilespmem:s31+$0x8400]  }
0x97: {  	v6 =	vimm.f32 $0.0e+00;
	v4 =	vld [tilespmem:s31+$0x8410]  }
0x98: {  	v7 =	vimm.f32 $0.0e+00;
	s24 =	sadd.s32 $0x100, s30;
	v0 =	vimm.f32 $0.0e+00;
	v3 =	vimm.f32 $0.0e+00;
	v5 =	vld [tilespmem:s31+$0x8420]  }
.LBB2_17:
0x99: {  	p1 =	sne.s32 s24, $0x7F00  }
.Ltmp17:
0x9a: {  	s25 =	sshra.s32 s24, $0x2;
	s24 =	sadd.s32 $0x100, s24;
	v0 =	vadd.f32 v1, v0;
	(pc) =	sbr.rel @p1 .LBB2_17-.Ltmp17, $4  }
0x9b: {  	v1 =	vld [tilespmem:s25+$0x8430];
	v3 =	vadd.f32 v2, v3  }
0x9c: {  	v2 =	vld [tilespmem:s25+$0x8400];
	v6 =	vadd.f32 v4, v6  }
0x9d: {  	v4 =	vld [tilespmem:s25+$0x8410];
	v7 =	vadd.f32 v5, v7  }
0x9e: {  	v5 =	vld [tilespmem:s25+$0x8420]  }
.LBB2_18:
0x9f: {  	_ =	sdelay $0x2  }
0xa0: {  	v3 =	vadd.f32 v2, v3;
	v2 =	vadd.f32 v4, v6  }
0xa1: {  	v0 =	vadd.f32 v1, v0;
	v1 =	vadd.f32 v5, v7  }
.LBB2_19:
0xa2: {  	s24 =	sor.u32 $0x100, s22  }
0xa3: {  	s25 =	smulhi.u32 $0x51EB851F, s24;
	_ =	sdelay $0x1  }
0xa4: {  	s25 =	sshrl.u32 s25, $0x6  }
0xa5: {  	s25 =	smul.u32 $0xC8, s25;
	_ =	sdelay $0x1  }
0xa6: {  	s24 =	ssub.s32 s24, s25  }
0xa7: {  	s25 =	ssub.s32 $0xC8, s24;
	p1 =	seq.s32 s24, $0x0  }
0xa8: {  	s25 =	simm.s32 @p1 $0x0  }
0xa9: {  	s26 =	sadd.s32 @!p0 $0x280, s23;
	p1 =	seq.s32 s25, $0x0  }
.Ltmp18:
0xaa: {  	s28 =	simm.s32 @!p0 $0x80;
	s29 =	simm.s32 @!p0 $0x8400;
	(pc) =	sbr.rel @p1 .LBB2_23-.Ltmp18, $4  }
0xab: {  	[tilespmem:s29], [sflag:$0x2] =	stream.indirect.gather @!p0 [hbm4b:s3+s28], $0x40, s26, s28, $0xb8;
	[tilespmem:$0x10400] =	vst v63  }
0xac: {  	_ =	swait.ge [sflag:s16], $0x2000  }
0xad: {  	[sflag:s16] =	ssyncset.done $0x0  }
0xae: {  	s28 =	simm.s32 $0xA400;
	[sflag:s16] =	ssyncadd.s32 $0xFFFFE000;
	s24 =	smin.u32 s25, $0x80  }
0xaf: {  	v7 =	vld [tilespmem:s28+$0x30];
	p1 =	sne.s32 s24, $0x1  }
.Ltmp19:
0xb0: {  	v4 =	vld [tilespmem:s28+$0x10];
	(pc) =	sbr.rel @!p1 .LBB2_22-.Ltmp19, $3  }
0xb1: {  	v5 =	vld [tilespmem:s28+$0x20]  }
0xb2: {  	v6 =	vld [tilespmem:s28+$0x0];
	_ =	sdelay $0x1  }
0xb3: {  	s26 =	sadd.s32 $0xFFFFFFFF, s24;
	s28 =	sadd.s32 $0x40, s28;
	v0 =	vadd.f32 v7, v0  }
.LBB2_21:
0xb4: {  	v7 =	vld [tilespmem:s28+$0x30];
	p1 =	sne.s32 s26, $0x1;
	s26 =	sadd.s32 $0xFFFFFFFF, s26;
	v2 =	vadd.f32 v4, v2  }
.Ltmp20:
0xb5: {  	v4 =	vld [tilespmem:s28+$0x10];
	v1 =	vadd.f32 v5, v1;
	(pc) =	sbr.rel @p1 .LBB2_21-.Ltmp20, $3  }
0xb6: {  	v5 =	vld [tilespmem:s28+$0x20];
	v3 =	vadd.f32 v6, v3  }
0xb7: {  	v6 =	vld [tilespmem:s28+$0x0];
	_ =	sdelay $0x1  }
0xb8: {  	s28 =	sadd.s32 $0x40, s28;
	v0 =	vadd.f32 v7, v0  }
.LBB2_22:
0xb9: {  	p1 =	sgt.u32 s25, $0x7F  }
.Ltmp21:
0xba: {  	_ = 	snop;
	(pc) =	sbr.rel @p1 .LBB2_26-.Ltmp21, $3  }
0xbb: {  	_ =	sdelay $0x1  }
0xbc: {  	v2 =	vadd.f32 v4, v2  }
0xbd: {  	v1 =	vadd.f32 v5, v1;
	v3 =	vadd.f32 v6, v3  }
.LBB2_23:
0xbe: {  	s22 =	sadd.s32 s22, s24  }
0xbf: {  	s22 =	sadd.s32 $0xFF, s22  }
0xc0: {  	s22 =	smulhi.u32 $0x51EB851F, s22  }
0xc1: {  	v3 =	vmul.f32 $4.999999890e-03, v3  }
0xc2: {  	v2 =	vmul.f32 $4.999999890e-03, v2;
	s22 =	sand.u32 $0x3FFFFFC0, s22  }
0xc3: {  	v1 =	vmul.f32 $4.999999890e-03, v1;
	[tilespmem:s22+$0xE400] =	vst v3  }
0xc4: {  	v0 =	vmul.f32 $4.999999890e-03, v0;
	s31 =	sshll.u32 s24, $0x8;
	[tilespmem:s22+$0xE410] =	vst v2  }
0xc5: {  	p1 =	sne.s32 s31, $0x7F00;
	[tilespmem:s22+$0xE420] =	vst v1  }
.Ltmp22:
0xc6: {  	s25 =	sshra.s32 s31, $0x2;
	[tilespmem:s22+$0xE430] =	vst v0;
	(pc) =	sbr.rel @!p1 .LBB2_25-.Ltmp22, $4  }
0xc7: {  	v1 =	vld [tilespmem:s25+$0xA430]  }
0xc8: {  	v2 =	vld [tilespmem:s25+$0xA400]  }
0xc9: {  	v6 =	vimm.f32 $0.0e+00;
	v4 =	vld [tilespmem:s25+$0xA410]  }
0xca: {  	v7 =	vimm.f32 $0.0e+00;
	v0 =	vimm.f32 $0.0e+00;
	s22 =	sadd.s32 $0x100, s31;
	v3 =	vimm.f32 $0.0e+00;
	v5 =	vld [tilespmem:s25+$0xA420]  }
.LBB2_24:
0xcb: {  	p1 =	sne.s32 s22, $0x7F00  }
.Ltmp23:
0xcc: {  	s24 =	sshra.s32 s22, $0x2;
	s22 =	sadd.s32 $0x100, s22;
	v0 =	vadd.f32 v1, v0;
	(pc) =	sbr.rel @p1 .LBB2_24-.Ltmp23, $4  }
0xcd: {  	v1 =	vld [tilespmem:s24+$0xA430];
	v3 =	vadd.f32 v2, v3  }
0xce: {  	v2 =	vld [tilespmem:s24+$0xA400];
	v6 =	vadd.f32 v4, v6  }
0xcf: {  	v4 =	vld [tilespmem:s24+$0xA410];
	v7 =	vadd.f32 v5, v7  }
0xd0: {  	v5 =	vld [tilespmem:s24+$0xA420]  }
.LBB2_25:
0xd1: {  	_ =	sdelay $0x2  }
0xd2: {  	v3 =	vadd.f32 v2, v3;
	v2 =	vadd.f32 v4, v6  }
0xd3: {  	v0 =	vadd.f32 v1, v0;
	v1 =	vadd.f32 v5, v7  }
.LBB2_26:
0xd4: {  	s22 =	smulhi.u32 $0x51EB851F, s21;
	_ =	sdelay $0x1  }
0xd5: {  	s23 =	sadd.s32 @!p0 $0x300, s23;
	s22 =	sshrl.u32 s22, $0x6  }
0xd6: {  	s24 =	simm.s32 @!p0 $0x80;
	s25 =	simm.s32 @!p0 $0xA400;
	s22 =	smul.u32 $0xC8, s22  }
0xd7: {  	[tilespmem:s25], [sflag:$0x3] =	stream.indirect.gather @!p0 [hbm4b:s3+s24], $0x40, s23, s24, $0xb8;
	[tilespmem:$0x10400] =	vst v63  }
0xd8: {  	s22 =	ssub.s32 s21, s22  }
0xd9: {  	s23 =	ssub.s32 $0xC8, s22;
	p0 =	seq.s32 s22, $0x0  }
0xda: {  	s23 =	simm.s32 @p0 $0x0  }
0xdb: {  	p0 =	seq.s32 s23, $0x0  }
.Ltmp24:
0xdc: {  	_ = 	snop;
	(pc) =	sbr.rel @p0 .LBB2_30-.Ltmp24, $4  }
0xdd: {  	_ = 	snop  }
0xde: {  	_ =	swait.ge [sflag:s17], $0x2000  }
0xdf: {  	[sflag:s17] =	ssyncset.done $0x0  }
0xe0: {  	s25 =	simm.s32 $0xC400;
	[sflag:s17] =	ssyncadd.s32 $0xFFFFE000;
	s22 =	smin.u32 s23, $0x80  }
0xe1: {  	v7 =	vld [tilespmem:s25+$0x30];
	p0 =	sne.s32 s22, $0x1  }
.Ltmp25:
0xe2: {  	v4 =	vld [tilespmem:s25+$0x10];
	(pc) =	sbr.rel @!p0 .LBB2_29-.Ltmp25, $3  }
0xe3: {  	v5 =	vld [tilespmem:s25+$0x20]  }
0xe4: {  	v6 =	vld [tilespmem:s25+$0x0];
	_ =	sdelay $0x1  }
0xe5: {  	s24 =	sadd.s32 $0xFFFFFFFF, s22;
	s25 =	sadd.s32 $0x40, s25;
	v0 =	vadd.f32 v7, v0  }
.LBB2_28:
0xe6: {  	v7 =	vld [tilespmem:s25+$0x30];
	p0 =	sne.s32 s24, $0x1;
	s24 =	sadd.s32 $0xFFFFFFFF, s24;
	v2 =	vadd.f32 v4, v2  }
.Ltmp26:
0xe7: {  	v4 =	vld [tilespmem:s25+$0x10];
	v1 =	vadd.f32 v5, v1;
	(pc) =	sbr.rel @p0 .LBB2_28-.Ltmp26, $3  }
0xe8: {  	v5 =	vld [tilespmem:s25+$0x20];
	v3 =	vadd.f32 v6, v3  }
0xe9: {  	v6 =	vld [tilespmem:s25+$0x0];
	_ =	sdelay $0x1  }
0xea: {  	s25 =	sadd.s32 $0x40, s25;
	v0 =	vadd.f32 v7, v0  }
.LBB2_29:
0xeb: {  	p0 =	sgt.u32 s23, $0x7F  }
.Ltmp27:
0xec: {  	_ = 	snop;
	(pc) =	sbr.rel @p0 .LBB2_33-.Ltmp27, $3  }
0xed: {  	_ =	sdelay $0x1  }
0xee: {  	v2 =	vadd.f32 v4, v2;
	v3 =	vadd.f32 v6, v3  }
0xef: {  	v1 =	vadd.f32 v5, v1  }
.LBB2_30:
0xf0: {  	s21 =	sadd.s32 s22, s21  }
0xf1: {  	s21 =	sadd.s32 $0xFFFFFFFF, s21  }
0xf2: {  	s21 =	smulhi.u32 $0x51EB851F, s21;
	_ =	sdelay $0x1  }
0xf3: {  	s21 =	sshll.u32 s21, $0x2  }
0xf4: {  	v3 =	vmul.f32 $4.999999890e-03, v3;
	s21 =	sshra.s32 s21, $0x2  }
0xf5: {  	v2 =	vmul.f32 $4.999999890e-03, v2;
	s21 =	sand.u32 $0xFFFFFFC0, s21  }
0xf6: {  	v1 =	vmul.f32 $4.999999890e-03, v1;
	[tilespmem:s21+$0xE400] =	vst v3  }
0xf7: {  	v0 =	vmul.f32 $4.999999890e-03, v0;
	[tilespmem:s21+$0xE410] =	vst v2  }
0xf8: {  	s31 =	sshll.u32 s22, $0x8;
	[tilespmem:s21+$0xE420] =	vst v1  }
0xf9: {  	s23 =	sshra.s32 s31, $0x2;
	[tilespmem:s21+$0xE430] =	vst v0  }
0xfa: {  	v1 =	vld [tilespmem:s23+$0xC430]  }
0xfb: {  	p0 =	sne.s32 s31, $0x7F00;
	v2 =	vld [tilespmem:s23+$0xC400]  }
.Ltmp28:
0xfc: {  	v4 =	vld [tilespmem:s23+$0xC410];
	(pc) =	sbr.rel @!p0 .LBB2_32-.Ltmp28, $3  }
0xfd: {  	v5 =	vld [tilespmem:s23+$0xC420];
	_ =	sdelay $0x1  }
0xfe: {  	v6 =	vimm.f32 $0.0e+00  }
0xff: {  	v7 =	vimm.f32 $0.0e+00;
	v0 =	vimm.f32 $0.0e+00;
	s21 =	sadd.s32 $0x100, s31;
	v3 =	vimm.f32 $0.0e+00  }
.LBB2_31:
0x100: {  	p0 =	sne.s32 s21, $0x7F00  }
.Ltmp29:
0x101: {  	s22 =	sshra.s32 s21, $0x2;
	s21 =	sadd.s32 $0x100, s21;
	v0 =	vadd.f32 v1, v0;
	(pc) =	sbr.rel @p0 .LBB2_31-.Ltmp29, $4  }
0x102: {  	v3 =	vadd.f32 v2, v3;
	v1 =	vld [tilespmem:s22+$0xC430]  }
0x103: {  	v6 =	vadd.f32 v4, v6;
	v2 =	vld [tilespmem:s22+$0xC400]  }
0x104: {  	v7 =	vadd.f32 v5, v7;
	v4 =	vld [tilespmem:s22+$0xC410]  }
0x105: {  	v5 =	vld [tilespmem:s22+$0xC420]  }
.Ltmp30:
0x106: {  	_ = 	snop;
	(pc) =	sbr.rel .LBB2_32-.Ltmp30, $1  }
0x107: {  	_ =	sdelay $0x3  }
.LBB2_35:
0x108: {  	_ =	sfence.sel $0x180000  }
0x109: {  	[bflag:$0x0] =	sbarrier.arrive $0xFFFF  }
0x10a: {  	p0 =	sne.s32 s1, $0x0;
	_ =	strace $0x90000047  }
0x10b: {  	s0 =	sadd.s32 @!p0 $0x100000, s0;
	[bflag:$0x2] =	sbarrier.arrive $0xFFFF  }
0x10c: {  	[sflag:s0] =	ssyncadd.tile.s32 @!p0 $0x1;
	_ =	shalt  }
.Lfunc_end2:
_tile_overlayer_lowered:
.L_overlay_start_2:
0x10d: {  	(tag) =	ssettag $0x2  }
0x10e: {  	s0 =	rddreg [dreg:$0x0];
	s2 =	stileid.u32  }
0x10f: {  	s1 =	rddreg [dreg:$0x1];
	p0 =	sne.s32 s2, $0x0  }
0x110: {  	s3 =	rddreg [dreg:$0x2];
	[bflag:$0x3] =	sbarrier.arrive $0xFFFF;
	s2 =	simm.s32 @!p0 $0x1C05  }
0x111: {  	[timem:s3], [sflag:s2] =	dma.local @!p0 [hbm:s0], s1  }
0x112: {  	s0 =	simm.s32 @!p0 $0x5  }
0x113: {  	_ =	swait.ge @!p0 [sflag:s0], s1  }
0x114: {  	s1 =	ssub.s32 @!p0 $0x0, s1;
	[sflag:s0] =	ssyncset.done @!p0 $0x0  }
0x115: {  	[sflag:s0] =	ssyncadd.s32 @!p0 s1  }
0x116: {  	[bflag:$0x3] =	sbarrier.arrive $0xFFFF  }
0x117: {  	_ =	shalt  }

</sc_bundles>
